<compile_context>
chip_gen: v7x
topology: tpu7x:2x2x1
jax: 0.10.2.dev20260603
libtpu: 0.0.44.dev20260713+nightly
codegen_flags: <defaults>
</compile_context>

<pallas_src>
import functools

import jax
import jax.numpy as jnp
from jax import lax
from jax.experimental import pallas as pl
from jax.experimental.pallas import tpu as pltpu
from jax.experimental.pallas import tpu_sc as plsc

SCALE_ = 8.0

_IDX_MINOR = 128
_GATHERS_PER_CHUNK = 5
_CHUNK = _IDX_MINOR * _GATHERS_PER_CHUNK


def _make_emb(n_idx_rows: int, vocab: int, d: int):
  info = plsc.get_sparse_core_info()
  nc, ns, nl = info.num_cores, info.num_subcores, info.num_lanes
  nw = nc * ns
  total = n_idx_rows * _IDX_MINOR
  per_w = total // nw
  idx_rows_w = per_w // _IDX_MINOR
  n_chunks = per_w // _CHUNK
  assert per_w % _CHUNK == 0 and n_chunks % 2 == 0 and d % nl == 0

  mesh = plsc.VectorSubcoreMesh(core_axis_name="c", subcore_axis_name="s")

  @functools.partial(
      pl.kernel,
      mesh=mesh,
      compiler_params=pltpu.CompilerParams(use_tc_tiling_on_sc=False),
      out_type=jax.ShapeDtypeStruct((total, d), jnp.float32),
      scratch_types=[
          pltpu.VMEM((idx_rows_w, _IDX_MINOR), jnp.int32),
          pltpu.VMEM((_CHUNK, d), jnp.float32),
          pltpu.VMEM((_CHUNK, d), jnp.float32),
          pltpu.SemaphoreType.DMA,
          pltpu.SemaphoreType.DMA,
          pltpu.SemaphoreType.DMA,
          pltpu.SemaphoreType.DMA,
      ],
  )
  def emb(idx_hbm, table_hbm, out_hbm, idx_v, rows0, rows1,
          sem_g0, sem_g1, sem_w0, sem_w1):
    wid = lax.axis_index("s") * nc + lax.axis_index("c")
    out_row0 = wid * per_w
    bufs = ((rows0, sem_g0, sem_w0), (rows1, sem_g1, sem_w1))

    pltpu.sync_copy(idx_hbm.at[pl.ds(wid * idx_rows_w, idx_rows_w)], idx_v)

    def fire(c, rows, sem):
      for j in range(_GATHERS_PER_CHUNK):
        pltpu.async_copy(
            table_hbm.at[idx_v.at[c * _GATHERS_PER_CHUNK + j]],
            rows.at[pl.ds(j * _IDX_MINOR, _IDX_MINOR)],
            sem,
        )

    def drain(rows, sem):
      pltpu.make_async_copy(out_hbm.at[pl.ds(0, _CHUNK)], rows, sem).wait()

    fire(0, rows0, sem_g0)
    fire(1, rows1, sem_g1)

    def chunk_pair(k, carry):
      for b, (rows, sem_g, sem_w) in enumerate(bufs):
        c = 2 * k + b
        drain(rows, sem_g)

        def scale_row(r, carry2):
          for j in range(d // nl):
            s = pl.ds(j * nl, nl)
            rows[r, s] = rows[r, s] * SCALE_
          return carry2

        lax.fori_loop(0, _CHUNK, scale_row, 0)
        pltpu.async_copy(rows, out_hbm.at[pl.ds(out_row0 + c * _CHUNK, _CHUNK)],
                         sem_w)

      @pl.when(k < n_chunks // 2 - 1)
      def _prefetch():
        for b, (rows, sem_g, sem_w) in enumerate(bufs):
          drain(rows, sem_w)
          fire(2 * k + b + 2, rows, sem_g)

      return carry

    lax.fori_loop(0, n_chunks // 2, chunk_pair, 0)
    drain(rows0, sem_w0)
    drain(rows1, sem_w1)

  return emb


def kernel(x, table):
  b, s = x.shape
  vocab, d = table.shape
  total = b * s
  idx2d = x.reshape(total // _IDX_MINOR, _IDX_MINOR)
  emb = _make_emb(total // _IDX_MINOR, vocab, d)
  out = emb(idx2d, table)
  return out.reshape(b, s, d)

# --- scband reference (transcript-rebuilt; emitter-appended) ---
"""Pipeline reference for scband-embeddings-24988119728331 (READ-ONLY COPY).

The authoritative reference and input builder live on the scoring server;
editing this copy changes nothing except your own understanding.
"""

import jax, jax.numpy as jnp
import numpy as np

D_MODEL = 64
VOCAB = 1000000

def setup_inputs(seed: int = 0) -> dict:
    key = jax.random.key(seed)
    k1, k2 = jax.random.split(key)
    x = jax.random.randint(k1, (16384, 50), 0, VOCAB, dtype=jnp.int64 if jax.config.jax_enable_x64 else jnp.int32)
    table = jax.random.normal(k2, (VOCAB, D_MODEL), dtype=jnp.float32)
    return {"x": x, "table": table}

def reference(x, table):
    # Embedding lookup followed by scale by sqrt(d_model)
    emb = jnp.take(table, x, axis=0)
    return emb * np.sqrt(D_MODEL).astype(np.float32)

if __name__ == "__main__":
    import jax
    _d = setup_inputs()
    print(jax.jit(kernel)(*tuple(_d.values())))

</pallas_src>

<mosaic_0001>
#map = affine_map<(d0, d1) -> (0, 0)>
module attributes {stable_mosaic.version = 14 : i64} {
  func.func @emb(%arg0: i32, %arg1: i32, %arg2: memref<6400x128xi32, #tpu.memory_space<hbm>>, %arg3: memref<1000000x64xf32, #tpu.memory_space<hbm>>, %arg4: memref<819200x64xf32, #tpu.memory_space<hbm>>, %arg5: memref<200x128xi32, #tpu.memory_space<vmem>>, %arg6: memref<640x64xf32, #tpu.memory_space<vmem>>, %arg7: memref<640x64xf32, #tpu.memory_space<vmem>>, %arg8: memref<!tpu.dma_semaphore, #tpu.memory_space<semaphore_mem>>, %arg9: memref<!tpu.dma_semaphore, #tpu.memory_space<semaphore_mem>>, %arg10: memref<!tpu.dma_semaphore, #tpu.memory_space<semaphore_mem>>, %arg11: memref<!tpu.dma_semaphore, #tpu.memory_space<semaphore_mem>>) attributes {dimension_semantics = [#tpu.dimension_semantics<core_parallel>, #tpu.dimension_semantics<subcore_parallel>], iteration_bounds = array<i64: 2, 16>, scalar_prefetch = 0 : i64, scratch_operands = 7 : i64, tpu.core_type = #tpu.core_type<sc_vector_subcore>, window_params = [{transform_indices = #map}, {transform_indices = #map}, {transform_indices = #map}]} {
    %mul3A = arith.constant 2 : i32
    %mul3A_0 = arith.muli %arg1, %mul3A : i32
    %add3A = arith.addi %mul3A_0, %arg0 : i32
    %mul3A_1 = arith.constant 25600 : i32
    %mul3A_2 = arith.muli %add3A, %mul3A_1 : i32
    %mul3A_3 = arith.constant 200 : i32
    %mul3A_4 = arith.muli %add3A, %mul3A_3 : i32
    "tpu.region"() ({
      %run_scoped3A = tpu.sem_alloc : memref<!tpu.dma_semaphore, #tpu.memory_space<semaphore_mem>>
      %dma_start3A_120 = arith.constant 0 : i32
      %dma_start3A_121 = tpu.memref_slice %arg2[%mul3A_4, %dma_start3A_120] : memref<6400x128xi32, #tpu.memory_space<hbm>> -> memref<200x128xi32, #tpu.memory_space<hbm>>
      %dma_start3A_122 = arith.constant 0 : i32
      %dma_start3A_123 = tpu.memref_slice %arg2[%mul3A_4, %dma_start3A_122] : memref<6400x128xi32, #tpu.memory_space<hbm>> -> memref<200x128xi32, #tpu.memory_space<hbm>>
      tpu.enqueue_dma source(%dma_start3A_123 : memref<200x128xi32, #tpu.memory_space<hbm>>) target(%arg5 : memref<200x128xi32, #tpu.memory_space<vmem>>) target_semaphore(%run_scoped3A : memref<!tpu.dma_semaphore, #tpu.memory_space<semaphore_mem>>)
      %dma_wait3A_124 = arith.constant 0 : i32
      %dma_wait3A_125 = tpu.memref_slice %arg2[%mul3A_4, %dma_wait3A_124] : memref<6400x128xi32, #tpu.memory_space<hbm>> -> memref<200x128xi32, #tpu.memory_space<hbm>>
      %dma_wait3A_126 = arith.constant 0 : i32
      %dma_wait3A_127 = tpu.memref_slice %arg2[%mul3A_4, %dma_wait3A_126] : memref<6400x128xi32, #tpu.memory_space<hbm>> -> memref<200x128xi32, #tpu.memory_space<hbm>>
      tpu.wait_dma2 semaphore(%run_scoped3A : memref<!tpu.dma_semaphore, #tpu.memory_space<semaphore_mem>>) src(%dma_wait3A_127 : memref<200x128xi32, #tpu.memory_space<hbm>>) dst(%arg5 : memref<200x128xi32, #tpu.memory_space<vmem>>)
      tpu.yield
    }) : () -> ()
    %dma_start3A = arith.constant 0 : i32
    %dma_start3A_5 = arith.constant 0 : i32
    %dma_start3A_6 = arith.constant 0 : i32
    %dma_start3A_7 = tpu.memref_slice %arg6[%dma_start3A_5, %dma_start3A_6] : memref<640x64xf32, #tpu.memory_space<vmem>> -> memref<128x64xf32, #tpu.memory_space<vmem>>
    %dma_start3A_8 = arith.constant 0 : i32
    %dma_start3A_9 = tpu.memref_slice %arg5[%dma_start3A, %dma_start3A_8] : memref<200x128xi32, #tpu.memory_space<vmem>> -> memref<1x128xi32, #tpu.memory_space<vmem>>
    %dma_start3A_10 = tpu.memref_squeeze %dma_start3A_9 : memref<1x128xi32, #tpu.memory_space<vmem>> -> memref<128xi32, #tpu.memory_space<vmem>>
    %dma_start3A_11 = arith.constant 0 : i32
    %dma_start3A_12 = arith.constant 0 : i32
    %dma_start3A_13 = tpu.memref_slice %arg3[%dma_start3A_11, %dma_start3A_12] : memref<1000000x64xf32, #tpu.memory_space<hbm>> -> memref<1000000x64xf32, #tpu.memory_space<hbm>>
    tpu.enqueue_indirect_dma source(%dma_start3A_13 : memref<1000000x64xf32, #tpu.memory_space<hbm>>) target(%dma_start3A_7 : memref<128x64xf32, #tpu.memory_space<vmem>>) offsets(%dma_start3A_10 : memref<128xi32, #tpu.memory_space<vmem>>) semaphore(%arg8 : memref<!tpu.dma_semaphore, #tpu.memory_space<semaphore_mem>>)
    %dma_start3A_14 = arith.constant 1 : i32
    %dma_start3A_15 = arith.constant 128 : i32
    %dma_start3A_16 = arith.constant 0 : i32
    %dma_start3A_17 = tpu.memref_slice %arg6[%dma_start3A_15, %dma_start3A_16] : memref<640x64xf32, #tpu.memory_space<vmem>> -> memref<128x64xf32, #tpu.memory_space<vmem>>
    %dma_start3A_18 = arith.constant 0 : i32
    %dma_start3A_19 = tpu.memref_slice %arg5[%dma_start3A_14, %dma_start3A_18] : memref<200x128xi32, #tpu.memory_space<vmem>> -> memref<1x128xi32, #tpu.memory_space<vmem>>
    %dma_start3A_20 = tpu.memref_squeeze %dma_start3A_19 : memref<1x128xi32, #tpu.memory_space<vmem>> -> memref<128xi32, #tpu.memory_space<vmem>>
    %dma_start3A_21 = arith.constant 0 : i32
    %dma_start3A_22 = arith.constant 0 : i32
    %dma_start3A_23 = tpu.memref_slice %arg3[%dma_start3A_21, %dma_start3A_22] : memref<1000000x64xf32, #tpu.memory_space<hbm>> -> memref<1000000x64xf32, #tpu.memory_space<hbm>>
    tpu.enqueue_indirect_dma source(%dma_start3A_23 : memref<1000000x64xf32, #tpu.memory_space<hbm>>) target(%dma_start3A_17 : memref<128x64xf32, #tpu.memory_space<vmem>>) offsets(%dma_start3A_20 : memref<128xi32, #tpu.memory_space<vmem>>) semaphore(%arg8 : memref<!tpu.dma_semaphore, #tpu.memory_space<semaphore_mem>>)
    %dma_start3A_24 = arith.constant 2 : i32
    %dma_start3A_25 = arith.constant 256 : i32
    %dma_start3A_26 = arith.constant 0 : i32
    %dma_start3A_27 = tpu.memref_slice %arg6[%dma_start3A_25, %dma_start3A_26] : memref<640x64xf32, #tpu.memory_space<vmem>> -> memref<128x64xf32, #tpu.memory_space<vmem>>
    %dma_start3A_28 = arith.constant 0 : i32
    %dma_start3A_29 = tpu.memref_slice %arg5[%dma_start3A_24, %dma_start3A_28] : memref<200x128xi32, #tpu.memory_space<vmem>> -> memref<1x128xi32, #tpu.memory_space<vmem>>
    %dma_start3A_30 = tpu.memref_squeeze %dma_start3A_29 : memref<1x128xi32, #tpu.memory_space<vmem>> -> memref<128xi32, #tpu.memory_space<vmem>>
    %dma_start3A_31 = arith.constant 0 : i32
    %dma_start3A_32 = arith.constant 0 : i32
    %dma_start3A_33 = tpu.memref_slice %arg3[%dma_start3A_31, %dma_start3A_32] : memref<1000000x64xf32, #tpu.memory_space<hbm>> -> memref<1000000x64xf32, #tpu.memory_space<hbm>>
    tpu.enqueue_indirect_dma source(%dma_start3A_33 : memref<1000000x64xf32, #tpu.memory_space<hbm>>) target(%dma_start3A_27 : memref<128x64xf32, #tpu.memory_space<vmem>>) offsets(%dma_start3A_30 : memref<128xi32, #tpu.memory_space<vmem>>) semaphore(%arg8 : memref<!tpu.dma_semaphore, #tpu.memory_space<semaphore_mem>>)
    %dma_start3A_34 = arith.constant 3 : i32
    %dma_start3A_35 = arith.constant 384 : i32
    %dma_start3A_36 = arith.constant 0 : i32
    %dma_start3A_37 = tpu.memref_slice %arg6[%dma_start3A_35, %dma_start3A_36] : memref<640x64xf32, #tpu.memory_space<vmem>> -> memref<128x64xf32, #tpu.memory_space<vmem>>
    %dma_start3A_38 = arith.constant 0 : i32
    %dma_start3A_39 = tpu.memref_slice %arg5[%dma_start3A_34, %dma_start3A_38] : memref<200x128xi32, #tpu.memory_space<vmem>> -> memref<1x128xi32, #tpu.memory_space<vmem>>
    %dma_start3A_40 = tpu.memref_squeeze %dma_start3A_39 : memref<1x128xi32, #tpu.memory_space<vmem>> -> memref<128xi32, #tpu.memory_space<vmem>>
    %dma_start3A_41 = arith.constant 0 : i32
    %dma_start3A_42 = arith.constant 0 : i32
    %dma_start3A_43 = tpu.memref_slice %arg3[%dma_start3A_41, %dma_start3A_42] : memref<1000000x64xf32, #tpu.memory_space<hbm>> -> memref<1000000x64xf32, #tpu.memory_space<hbm>>
    tpu.enqueue_indirect_dma source(%dma_start3A_43 : memref<1000000x64xf32, #tpu.memory_space<hbm>>) target(%dma_start3A_37 : memref<128x64xf32, #tpu.memory_space<vmem>>) offsets(%dma_start3A_40 : memref<128xi32, #tpu.memory_space<vmem>>) semaphore(%arg8 : memref<!tpu.dma_semaphore, #tpu.memory_space<semaphore_mem>>)
    %dma_start3A_44 = arith.constant 4 : i32
    %dma_start3A_45 = arith.constant 512 : i32
    %dma_start3A_46 = arith.constant 0 : i32
    %dma_start3A_47 = tpu.memref_slice %arg6[%dma_start3A_45, %dma_start3A_46] : memref<640x64xf32, #tpu.memory_space<vmem>> -> memref<128x64xf32, #tpu.memory_space<vmem>>
    %dma_start3A_48 = arith.constant 0 : i32
    %dma_start3A_49 = tpu.memref_slice %arg5[%dma_start3A_44, %dma_start3A_48] : memref<200x128xi32, #tpu.memory_space<vmem>> -> memref<1x128xi32, #tpu.memory_space<vmem>>
    %dma_start3A_50 = tpu.memref_squeeze %dma_start3A_49 : memref<1x128xi32, #tpu.memory_space<vmem>> -> memref<128xi32, #tpu.memory_space<vmem>>
    %dma_start3A_51 = arith.constant 0 : i32
    %dma_start3A_52 = arith.constant 0 : i32
    %dma_start3A_53 = tpu.memref_slice %arg3[%dma_start3A_51, %dma_start3A_52] : memref<1000000x64xf32, #tpu.memory_space<hbm>> -> memref<1000000x64xf32, #tpu.memory_space<hbm>>
    tpu.enqueue_indirect_dma source(%dma_start3A_53 : memref<1000000x64xf32, #tpu.memory_space<hbm>>) target(%dma_start3A_47 : memref<128x64xf32, #tpu.memory_space<vmem>>) offsets(%dma_start3A_50 : memref<128xi32, #tpu.memory_space<vmem>>) semaphore(%arg8 : memref<!tpu.dma_semaphore, #tpu.memory_space<semaphore_mem>>)
    %dma_start3A_54 = arith.constant 5 : i32
    %dma_start3A_55 = arith.constant 0 : i32
    %dma_start3A_56 = arith.constant 0 : i32
    %dma_start3A_57 = tpu.memref_slice %arg7[%dma_start3A_55, %dma_start3A_56] : memref<640x64xf32, #tpu.memory_space<vmem>> -> memref<128x64xf32, #tpu.memory_space<vmem>>
    %dma_start3A_58 = arith.constant 0 : i32
    %dma_start3A_59 = tpu.memref_slice %arg5[%dma_start3A_54, %dma_start3A_58] : memref<200x128xi32, #tpu.memory_space<vmem>> -> memref<1x128xi32, #tpu.memory_space<vmem>>
    %dma_start3A_60 = tpu.memref_squeeze %dma_start3A_59 : memref<1x128xi32, #tpu.memory_space<vmem>> -> memref<128xi32, #tpu.memory_space<vmem>>
    %dma_start3A_61 = arith.constant 0 : i32
    %dma_start3A_62 = arith.constant 0 : i32
    %dma_start3A_63 = tpu.memref_slice %arg3[%dma_start3A_61, %dma_start3A_62] : memref<1000000x64xf32, #tpu.memory_space<hbm>> -> memref<1000000x64xf32, #tpu.memory_space<hbm>>
    tpu.enqueue_indirect_dma source(%dma_start3A_63 : memref<1000000x64xf32, #tpu.memory_space<hbm>>) target(%dma_start3A_57 : memref<128x64xf32, #tpu.memory_space<vmem>>) offsets(%dma_start3A_60 : memref<128xi32, #tpu.memory_space<vmem>>) semaphore(%arg9 : memref<!tpu.dma_semaphore, #tpu.memory_space<semaphore_mem>>)
    %dma_start3A_64 = arith.constant 6 : i32
    %dma_start3A_65 = arith.constant 128 : i32
    %dma_start3A_66 = arith.constant 0 : i32
    %dma_start3A_67 = tpu.memref_slice %arg7[%dma_start3A_65, %dma_start3A_66] : memref<640x64xf32, #tpu.memory_space<vmem>> -> memref<128x64xf32, #tpu.memory_space<vmem>>
    %dma_start3A_68 = arith.constant 0 : i32
    %dma_start3A_69 = tpu.memref_slice %arg5[%dma_start3A_64, %dma_start3A_68] : memref<200x128xi32, #tpu.memory_space<vmem>> -> memref<1x128xi32, #tpu.memory_space<vmem>>
    %dma_start3A_70 = tpu.memref_squeeze %dma_start3A_69 : memref<1x128xi32, #tpu.memory_space<vmem>> -> memref<128xi32, #tpu.memory_space<vmem>>
    %dma_start3A_71 = arith.constant 0 : i32
    %dma_start3A_72 = arith.constant 0 : i32
    %dma_start3A_73 = tpu.memref_slice %arg3[%dma_start3A_71, %dma_start3A_72] : memref<1000000x64xf32, #tpu.memory_space<hbm>> -> memref<1000000x64xf32, #tpu.memory_space<hbm>>
    tpu.enqueue_indirect_dma source(%dma_start3A_73 : memref<1000000x64xf32, #tpu.memory_space<hbm>>) target(%dma_start3A_67 : memref<128x64xf32, #tpu.memory_space<vmem>>) offsets(%dma_start3A_70 : memref<128xi32, #tpu.memory_space<vmem>>) semaphore(%arg9 : memref<!tpu.dma_semaphore, #tpu.memory_space<semaphore_mem>>)
    %dma_start3A_74 = arith.constant 7 : i32
    %dma_start3A_75 = arith.constant 256 : i32
    %dma_start3A_76 = arith.constant 0 : i32
    %dma_start3A_77 = tpu.memref_slice %arg7[%dma_start3A_75, %dma_start3A_76] : memref<640x64xf32, #tpu.memory_space<vmem>> -> memref<128x64xf32, #tpu.memory_space<vmem>>
    %dma_start3A_78 = arith.constant 0 : i32
    %dma_start3A_79 = tpu.memref_slice %arg5[%dma_start3A_74, %dma_start3A_78] : memref<200x128xi32, #tpu.memory_space<vmem>> -> memref<1x128xi32, #tpu.memory_space<vmem>>
    %dma_start3A_80 = tpu.memref_squeeze %dma_start3A_79 : memref<1x128xi32, #tpu.memory_space<vmem>> -> memref<128xi32, #tpu.memory_space<vmem>>
    %dma_start3A_81 = arith.constant 0 : i32
    %dma_start3A_82 = arith.constant 0 : i32
    %dma_start3A_83 = tpu.memref_slice %arg3[%dma_start3A_81, %dma_start3A_82] : memref<1000000x64xf32, #tpu.memory_space<hbm>> -> memref<1000000x64xf32, #tpu.memory_space<hbm>>
    tpu.enqueue_indirect_dma source(%dma_start3A_83 : memref<1000000x64xf32, #tpu.memory_space<hbm>>) target(%dma_start3A_77 : memref<128x64xf32, #tpu.memory_space<vmem>>) offsets(%dma_start3A_80 : memref<128xi32, #tpu.memory_space<vmem>>) semaphore(%arg9 : memref<!tpu.dma_semaphore, #tpu.memory_space<semaphore_mem>>)
    %dma_start3A_84 = arith.constant 8 : i32
    %dma_start3A_85 = arith.constant 384 : i32
    %dma_start3A_86 = arith.constant 0 : i32
    %dma_start3A_87 = tpu.memref_slice %arg7[%dma_start3A_85, %dma_start3A_86] : memref<640x64xf32, #tpu.memory_space<vmem>> -> memref<128x64xf32, #tpu.memory_space<vmem>>
    %dma_start3A_88 = arith.constant 0 : i32
    %dma_start3A_89 = tpu.memref_slice %arg5[%dma_start3A_84, %dma_start3A_88] : memref<200x128xi32, #tpu.memory_space<vmem>> -> memref<1x128xi32, #tpu.memory_space<vmem>>
    %dma_start3A_90 = tpu.memref_squeeze %dma_start3A_89 : memref<1x128xi32, #tpu.memory_space<vmem>> -> memref<128xi32, #tpu.memory_space<vmem>>
    %dma_start3A_91 = arith.constant 0 : i32
    %dma_start3A_92 = arith.constant 0 : i32
    %dma_start3A_93 = tpu.memref_slice %arg3[%dma_start3A_91, %dma_start3A_92] : memref<1000000x64xf32, #tpu.memory_space<hbm>> -> memref<1000000x64xf32, #tpu.memory_space<hbm>>
    tpu.enqueue_indirect_dma source(%dma_start3A_93 : memref<1000000x64xf32, #tpu.memory_space<hbm>>) target(%dma_start3A_87 : memref<128x64xf32, #tpu.memory_space<vmem>>) offsets(%dma_start3A_90 : memref<128xi32, #tpu.memory_space<vmem>>) semaphore(%arg9 : memref<!tpu.dma_semaphore, #tpu.memory_space<semaphore_mem>>)
    %dma_start3A_94 = arith.constant 9 : i32
    %dma_start3A_95 = arith.constant 512 : i32
    %dma_start3A_96 = arith.constant 0 : i32
    %dma_start3A_97 = tpu.memref_slice %arg7[%dma_start3A_95, %dma_start3A_96] : memref<640x64xf32, #tpu.memory_space<vmem>> -> memref<128x64xf32, #tpu.memory_space<vmem>>
    %dma_start3A_98 = arith.constant 0 : i32
    %dma_start3A_99 = tpu.memref_slice %arg5[%dma_start3A_94, %dma_start3A_98] : memref<200x128xi32, #tpu.memory_space<vmem>> -> memref<1x128xi32, #tpu.memory_space<vmem>>
    %dma_start3A_100 = tpu.memref_squeeze %dma_start3A_99 : memref<1x128xi32, #tpu.memory_space<vmem>> -> memref<128xi32, #tpu.memory_space<vmem>>
    %dma_start3A_101 = arith.constant 0 : i32
    %dma_start3A_102 = arith.constant 0 : i32
    %dma_start3A_103 = tpu.memref_slice %arg3[%dma_start3A_101, %dma_start3A_102] : memref<1000000x64xf32, #tpu.memory_space<hbm>> -> memref<1000000x64xf32, #tpu.memory_space<hbm>>
    tpu.enqueue_indirect_dma source(%dma_start3A_103 : memref<1000000x64xf32, #tpu.memory_space<hbm>>) target(%dma_start3A_97 : memref<128x64xf32, #tpu.memory_space<vmem>>) offsets(%dma_start3A_100 : memref<128xi32, #tpu.memory_space<vmem>>) semaphore(%arg9 : memref<!tpu.dma_semaphore, #tpu.memory_space<semaphore_mem>>)
    %scan3A = arith.constant 0 : i32
    %scan3A_104 = arith.constant 0 : i32
    %scan3A_105 = arith.constant 20 : i32
    %scan3A_106 = arith.addi %scan3A_104, %scan3A_105 : i32
    %scan3A_107 = arith.constant 1 : i32
    scf.for %scan3A_120 = %scan3A_104 to %scan3A_106 step %scan3A_107  : i32 {
      %mul3A_121 = arith.constant 2 : i32
      %mul3A_122 = arith.muli %mul3A_121, %scan3A_120 : i32
      %add3A_123 = arith.constant 0 : i32
      %add3A_124 = arith.addi %mul3A_122, %add3A_123 : i32
      %dma_wait3A_125 = arith.constant 0 : i32
      %dma_wait3A_126 = arith.constant 0 : i32
      %dma_wait3A_127 = tpu.memref_slice %arg4[%dma_wait3A_125, %dma_wait3A_126] : memref<819200x64xf32, #tpu.memory_space<hbm>> -> memref<640x64xf32, #tpu.memory_space<hbm>>
      %dma_wait3A_128 = arith.constant 0 : i32
      %dma_wait3A_129 = arith.constant 0 : i32
      %dma_wait3A_130 = tpu.memref_slice %arg4[%dma_wait3A_128, %dma_wait3A_129] : memref<819200x64xf32, #tpu.memory_space<hbm>> -> memref<640x64xf32, #tpu.memory_space<hbm>>
      tpu.wait_dma2 semaphore(%arg8 : memref<!tpu.dma_semaphore, #tpu.memory_space<semaphore_mem>>) src(%dma_wait3A_130 : memref<640x64xf32, #tpu.memory_space<hbm>>) dst(%arg6 : memref<640x64xf32, #tpu.memory_space<vmem>>)
      %scan3A_131 = arith.constant 0 : i32
      %scan3A_132 = arith.constant 0 : i32
      %scan3A_133 = arith.constant 640 : i32
      %scan3A_134 = arith.addi %scan3A_132, %scan3A_133 : i32
      %scan3A_135 = arith.constant 1 : i32
      scf.for %scan3A_169 = %scan3A_132 to %scan3A_134 step %scan3A_135  : i32 {
        %get3A = arith.index_cast %scan3A_169 : i32 to index
        %get3A_170 = arith.constant 0 : index
        %get3A_171 = tpu.vector_load %arg6[%get3A, %get3A_170] {strides = array<i32>} : memref<640x64xf32, #tpu.memory_space<vmem>>, vector<1x16xf32>,
        %get3A_172 = vector.shape_cast %get3A_171 : vector<1x16xf32> to vector<16xf32>
        %mul3A_173 = arith.constant 8.000000e+00 : f32
        %mul3A_174 = vector.broadcast %mul3A_173 : f32 to vector<16xf32>
        %mul3A_175 = arith.mulf %get3A_172, %mul3A_174 : vector<16xf32>
        %swap3A = arith.index_cast %scan3A_169 : i32 to index
        %swap3A_176 = arith.constant 0 : index
        %swap3A_177 = tpu.vector_load %arg6[%swap3A, %swap3A_176] {strides = array<i32>} : memref<640x64xf32, #tpu.memory_space<vmem>>, vector<1x16xf32>,
        %swap3A_178 = vector.shape_cast %swap3A_177 : vector<1x16xf32> to vector<16xf32>
        %swap3A_179 = vector.shape_cast %mul3A_175 : vector<16xf32> to vector<1x16xf32>
        tpu.vector_store %arg6[%swap3A, %swap3A_176], %swap3A_179 {strides = array<i32>} : memref<640x64xf32, #tpu.memory_space<vmem>>, vector<1x16xf32>,
        %get3A_180 = arith.index_cast %scan3A_169 : i32 to index
        %get3A_181 = arith.constant 16 : index
        %get3A_182 = tpu.vector_load %arg6[%get3A_180, %get3A_181] {strides = array<i32>} : memref<640x64xf32, #tpu.memory_space<vmem>>, vector<1x16xf32>,
        %get3A_183 = vector.shape_cast %get3A_182 : vector<1x16xf32> to vector<16xf32>
        %mul3A_184 = arith.constant 8.000000e+00 : f32
        %mul3A_185 = vector.broadcast %mul3A_184 : f32 to vector<16xf32>
        %mul3A_186 = arith.mulf %get3A_183, %mul3A_185 : vector<16xf32>
        %swap3A_187 = arith.index_cast %scan3A_169 : i32 to index
        %swap3A_188 = arith.constant 16 : index
        %swap3A_189 = tpu.vector_load %arg6[%swap3A_187, %swap3A_188] {strides = array<i32>} : memref<640x64xf32, #tpu.memory_space<vmem>>, vector<1x16xf32>,
        %swap3A_190 = vector.shape_cast %swap3A_189 : vector<1x16xf32> to vector<16xf32>
        %swap3A_191 = vector.shape_cast %mul3A_186 : vector<16xf32> to vector<1x16xf32>
        tpu.vector_store %arg6[%swap3A_187, %swap3A_188], %swap3A_191 {strides = array<i32>} : memref<640x64xf32, #tpu.memory_space<vmem>>, vector<1x16xf32>,
        %get3A_192 = arith.index_cast %scan3A_169 : i32 to index
        %get3A_193 = arith.constant 32 : index
        %get3A_194 = tpu.vector_load %arg6[%get3A_192, %get3A_193] {strides = array<i32>} : memref<640x64xf32, #tpu.memory_space<vmem>>, vector<1x16xf32>,
        %get3A_195 = vector.shape_cast %get3A_194 : vector<1x16xf32> to vector<16xf32>
        %mul3A_196 = arith.constant 8.000000e+00 : f32
        %mul3A_197 = vector.broadcast %mul3A_196 : f32 to vector<16xf32>
        %mul3A_198 = arith.mulf %get3A_195, %mul3A_197 : vector<16xf32>
        %swap3A_199 = arith.index_cast %scan3A_169 : i32 to index
        %swap3A_200 = arith.constant 32 : index
        %swap3A_201 = tpu.vector_load %arg6[%swap3A_199, %swap3A_200] {strides = array<i32>} : memref<640x64xf32, #tpu.memory_space<vmem>>, vector<1x16xf32>,
        %swap3A_202 = vector.shape_cast %swap3A_201 : vector<1x16xf32> to vector<16xf32>
        %swap3A_203 = vector.shape_cast %mul3A_198 : vector<16xf32> to vector<1x16xf32>
        tpu.vector_store %arg6[%swap3A_199, %swap3A_200], %swap3A_203 {strides = array<i32>} : memref<640x64xf32, #tpu.memory_space<vmem>>, vector<1x16xf32>,
        %get3A_204 = arith.index_cast %scan3A_169 : i32 to index
        %get3A_205 = arith.constant 48 : index
        %get3A_206 = tpu.vector_load %arg6[%get3A_204, %get3A_205] {strides = array<i32>} : memref<640x64xf32, #tpu.memory_space<vmem>>, vector<1x16xf32>,
        %get3A_207 = vector.shape_cast %get3A_206 : vector<1x16xf32> to vector<16xf32>
        %mul3A_208 = arith.constant 8.000000e+00 : f32
        %mul3A_209 = vector.broadcast %mul3A_208 : f32 to vector<16xf32>
        %mul3A_210 = arith.mulf %get3A_207, %mul3A_209 : vector<16xf32>
        %swap3A_211 = arith.index_cast %scan3A_169 : i32 to index
        %swap3A_212 = arith.constant 48 : index
        %swap3A_213 = tpu.vector_load %arg6[%swap3A_211, %swap3A_212] {strides = array<i32>} : memref<640x64xf32, #tpu.memory_space<vmem>>, vector<1x16xf32>,
        %swap3A_214 = vector.shape_cast %swap3A_213 : vector<1x16xf32> to vector<16xf32>
        %swap3A_215 = vector.shape_cast %mul3A_210 : vector<16xf32> to vector<1x16xf32>
        tpu.vector_store %arg6[%swap3A_211, %swap3A_212], %swap3A_215 {strides = array<i32>} : memref<640x64xf32, #tpu.memory_space<vmem>>, vector<1x16xf32>,
      }
      %scan3A_136 = arith.constant 640 : i32
      %mul3A_137 = arith.constant 640 : i32
      %mul3A_138 = arith.muli %add3A_124, %mul3A_137 : i32
      %add3A_139 = arith.addi %mul3A_2, %mul3A_138 : i32
      %dma_start3A_140 = arith.constant 0 : i32
      %dma_start3A_141 = tpu.memref_slice %arg4[%add3A_139, %dma_start3A_140] : memref<819200x64xf32, #tpu.memory_space<hbm>> -> memref<640x64xf32, #tpu.memory_space<hbm>>
      %dma_start3A_142 = arith.constant 0 : i32
      %dma_start3A_143 = tpu.memref_slice %arg4[%add3A_139, %dma_start3A_142] : memref<819200x64xf32, #tpu.memory_space<hbm>> -> memref<640x64xf32, #tpu.memory_space<hbm>>
      tpu.enqueue_dma source(%arg6 : memref<640x64xf32, #tpu.memory_space<vmem>>) target(%dma_start3A_143 : memref<640x64xf32, #tpu.memory_space<hbm>>) target_semaphore(%arg10 : memref<!tpu.dma_semaphore, #tpu.memory_space<semaphore_mem>>)
      %mul3A_144 = arith.constant 2 : i32
      %mul3A_145 = arith.muli %mul3A_144, %scan3A_120 : i32
      %add3A_146 = arith.constant 1 : i32
      %add3A_147 = arith.addi %mul3A_145, %add3A_146 : i32
      %dma_wait3A_148 = arith.constant 0 : i32
      %dma_wait3A_149 = arith.constant 0 : i32
      %dma_wait3A_150 = tpu.memref_slice %arg4[%dma_wait3A_148, %dma_wait3A_149] : memref<819200x64xf32, #tpu.memory_space<hbm>> -> memref<640x64xf32, #tpu.memory_space<hbm>>
      %dma_wait3A_151 = arith.constant 0 : i32
      %dma_wait3A_152 = arith.constant 0 : i32
      %dma_wait3A_153 = tpu.memref_slice %arg4[%dma_wait3A_151, %dma_wait3A_152] : memref<819200x64xf32, #tpu.memory_space<hbm>> -> memref<640x64xf32, #tpu.memory_space<hbm>>
      tpu.wait_dma2 semaphore(%arg9 : memref<!tpu.dma_semaphore, #tpu.memory_space<semaphore_mem>>) src(%dma_wait3A_153 : memref<640x64xf32, #tpu.memory_space<hbm>>) dst(%arg7 : memref<640x64xf32, #tpu.memory_space<vmem>>)
      %scan3A_154 = arith.constant 0 : i32
      %scan3A_155 = arith.constant 0 : i32
      %scan3A_156 = arith.constant 640 : i32
      %scan3A_157 = arith.addi %scan3A_155, %scan3A_156 : i32
      %scan3A_158 = arith.constant 1 : i32
      scf.for %scan3A_169 = %scan3A_155 to %scan3A_157 step %scan3A_158  : i32 {
        %get3A = arith.index_cast %scan3A_169 : i32 to index
        %get3A_170 = arith.constant 0 : index
        %get3A_171 = tpu.vector_load %arg7[%get3A, %get3A_170] {strides = array<i32>} : memref<640x64xf32, #tpu.memory_space<vmem>>, vector<1x16xf32>,
        %get3A_172 = vector.shape_cast %get3A_171 : vector<1x16xf32> to vector<16xf32>
        %mul3A_173 = arith.constant 8.000000e+00 : f32
        %mul3A_174 = vector.broadcast %mul3A_173 : f32 to vector<16xf32>
        %mul3A_175 = arith.mulf %get3A_172, %mul3A_174 : vector<16xf32>
        %swap3A = arith.index_cast %scan3A_169 : i32 to index
        %swap3A_176 = arith.constant 0 : index
        %swap3A_177 = tpu.vector_load %arg7[%swap3A, %swap3A_176] {strides = array<i32>} : memref<640x64xf32, #tpu.memory_space<vmem>>, vector<1x16xf32>,
        %swap3A_178 = vector.shape_cast %swap3A_177 : vector<1x16xf32> to vector<16xf32>
        %swap3A_179 = vector.shape_cast %mul3A_175 : vector<16xf32> to vector<1x16xf32>
        tpu.vector_store %arg7[%swap3A, %swap3A_176], %swap3A_179 {strides = array<i32>} : memref<640x64xf32, #tpu.memory_space<vmem>>, vector<1x16xf32>,
        %get3A_180 = arith.index_cast %scan3A_169 : i32 to index
        %get3A_181 = arith.constant 16 : index
        %get3A_182 = tpu.vector_load %arg7[%get3A_180, %get3A_181] {strides = array<i32>} : memref<640x64xf32, #tpu.memory_space<vmem>>, vector<1x16xf32>,
        %get3A_183 = vector.shape_cast %get3A_182 : vector<1x16xf32> to vector<16xf32>
        %mul3A_184 = arith.constant 8.000000e+00 : f32
        %mul3A_185 = vector.broadcast %mul3A_184 : f32 to vector<16xf32>
        %mul3A_186 = arith.mulf %get3A_183, %mul3A_185 : vector<16xf32>
        %swap3A_187 = arith.index_cast %scan3A_169 : i32 to index
        %swap3A_188 = arith.constant 16 : index
        %swap3A_189 = tpu.vector_load %arg7[%swap3A_187, %swap3A_188] {strides = array<i32>} : memref<640x64xf32, #tpu.memory_space<vmem>>, vector<1x16xf32>,
        %swap3A_190 = vector.shape_cast %swap3A_189 : vector<1x16xf32> to vector<16xf32>
        %swap3A_191 = vector.shape_cast %mul3A_186 : vector<16xf32> to vector<1x16xf32>
        tpu.vector_store %arg7[%swap3A_187, %swap3A_188], %swap3A_191 {strides = array<i32>} : memref<640x64xf32, #tpu.memory_space<vmem>>, vector<1x16xf32>,
        %get3A_192 = arith.index_cast %scan3A_169 : i32 to index
        %get3A_193 = arith.constant 32 : index
        %get3A_194 = tpu.vector_load %arg7[%get3A_192, %get3A_193] {strides = array<i32>} : memref<640x64xf32, #tpu.memory_space<vmem>>, vector<1x16xf32>,
        %get3A_195 = vector.shape_cast %get3A_194 : vector<1x16xf32> to vector<16xf32>
        %mul3A_196 = arith.constant 8.000000e+00 : f32
        %mul3A_197 = vector.broadcast %mul3A_196 : f32 to vector<16xf32>
        %mul3A_198 = arith.mulf %get3A_195, %mul3A_197 : vector<16xf32>
        %swap3A_199 = arith.index_cast %scan3A_169 : i32 to index
        %swap3A_200 = arith.constant 32 : index
        %swap3A_201 = tpu.vector_load %arg7[%swap3A_199, %swap3A_200] {strides = array<i32>} : memref<640x64xf32, #tpu.memory_space<vmem>>, vector<1x16xf32>,
        %swap3A_202 = vector.shape_cast %swap3A_201 : vector<1x16xf32> to vector<16xf32>
        %swap3A_203 = vector.shape_cast %mul3A_198 : vector<16xf32> to vector<1x16xf32>
        tpu.vector_store %arg7[%swap3A_199, %swap3A_200], %swap3A_203 {strides = array<i32>} : memref<640x64xf32, #tpu.memory_space<vmem>>, vector<1x16xf32>,
        %get3A_204 = arith.index_cast %scan3A_169 : i32 to index
        %get3A_205 = arith.constant 48 : index
        %get3A_206 = tpu.vector_load %arg7[%get3A_204, %get3A_205] {strides = array<i32>} : memref<640x64xf32, #tpu.memory_space<vmem>>, vector<1x16xf32>,
        %get3A_207 = vector.shape_cast %get3A_206 : vector<1x16xf32> to vector<16xf32>
        %mul3A_208 = arith.constant 8.000000e+00 : f32
        %mul3A_209 = vector.broadcast %mul3A_208 : f32 to vector<16xf32>
        %mul3A_210 = arith.mulf %get3A_207, %mul3A_209 : vector<16xf32>
        %swap3A_211 = arith.index_cast %scan3A_169 : i32 to index
        %swap3A_212 = arith.constant 48 : index
        %swap3A_213 = tpu.vector_load %arg7[%swap3A_211, %swap3A_212] {strides = array<i32>} : memref<640x64xf32, #tpu.memory_space<vmem>>, vector<1x16xf32>,
        %swap3A_214 = vector.shape_cast %swap3A_213 : vector<1x16xf32> to vector<16xf32>
        %swap3A_215 = vector.shape_cast %mul3A_210 : vector<16xf32> to vector<1x16xf32>
        tpu.vector_store %arg7[%swap3A_211, %swap3A_212], %swap3A_215 {strides = array<i32>} : memref<640x64xf32, #tpu.memory_space<vmem>>, vector<1x16xf32>,
      }
      %scan3A_159 = arith.constant 640 : i32
      %mul3A_160 = arith.constant 640 : i32
      %mul3A_161 = arith.muli %add3A_147, %mul3A_160 : i32
      %add3A_162 = arith.addi %mul3A_2, %mul3A_161 : i32
      %dma_start3A_163 = arith.constant 0 : i32
      %dma_start3A_164 = tpu.memref_slice %arg4[%add3A_162, %dma_start3A_163] : memref<819200x64xf32, #tpu.memory_space<hbm>> -> memref<640x64xf32, #tpu.memory_space<hbm>>
      %dma_start3A_165 = arith.constant 0 : i32
      %dma_start3A_166 = tpu.memref_slice %arg4[%add3A_162, %dma_start3A_165] : memref<819200x64xf32, #tpu.memory_space<hbm>> -> memref<640x64xf32, #tpu.memory_space<hbm>>
      tpu.enqueue_dma source(%arg7 : memref<640x64xf32, #tpu.memory_space<vmem>>) target(%dma_start3A_166 : memref<640x64xf32, #tpu.memory_space<hbm>>) target_semaphore(%arg11 : memref<!tpu.dma_semaphore, #tpu.memory_space<semaphore_mem>>)
      %lt3A = arith.constant 19 : i32
      %lt3A_167 = arith.cmpi slt, %scan3A_120, %lt3A : i32
      %convert_element_type3A = arith.extui %lt3A_167 : i1 to i32
      %cond3A = arith.constant 0 : i32
      %cond3A_168 = arith.cmpi ne, %convert_element_type3A, %cond3A : i32
      scf.if %cond3A_168 {
        %dma_wait3A_169 = arith.constant 0 : i32
        %dma_wait3A_170 = arith.constant 0 : i32
        %dma_wait3A_171 = tpu.memref_slice %arg4[%dma_wait3A_169, %dma_wait3A_170] : memref<819200x64xf32, #tpu.memory_space<hbm>> -> memref<640x64xf32, #tpu.memory_space<hbm>>
        %dma_wait3A_172 = arith.constant 0 : i32
        %dma_wait3A_173 = arith.constant 0 : i32
        %dma_wait3A_174 = tpu.memref_slice %arg4[%dma_wait3A_172, %dma_wait3A_173] : memref<819200x64xf32, #tpu.memory_space<hbm>> -> memref<640x64xf32, #tpu.memory_space<hbm>>
        tpu.wait_dma2 semaphore(%arg10 : memref<!tpu.dma_semaphore, #tpu.memory_space<semaphore_mem>>) src(%dma_wait3A_174 : memref<640x64xf32, #tpu.memory_space<hbm>>) dst(%arg6 : memref<640x64xf32, #tpu.memory_space<vmem>>)
        %mul3A_175 = arith.constant 2 : i32
        %mul3A_176 = arith.muli %mul3A_175, %scan3A_120 : i32
        %add3A_177 = arith.constant 0 : i32
        %add3A_178 = arith.addi %mul3A_176, %add3A_177 : i32
        %add3A_179 = arith.constant 2 : i32
        %add3A_180 = arith.addi %add3A_178, %add3A_179 : i32
        %mul3A_181 = arith.constant 5 : i32
        %mul3A_182 = arith.muli %add3A_180, %mul3A_181 : i32
        %add3A_183 = arith.constant 0 : i32
        %add3A_184 = arith.addi %mul3A_182, %add3A_183 : i32
        %dma_start3A_185 = arith.constant 0 : i32
        %dma_start3A_186 = arith.constant 0 : i32
        %dma_start3A_187 = tpu.memref_slice %arg6[%dma_start3A_185, %dma_start3A_186] : memref<640x64xf32, #tpu.memory_space<vmem>> -> memref<128x64xf32, #tpu.memory_space<vmem>>
        %dma_start3A_188 = arith.constant 0 : i32
        %dma_start3A_189 = tpu.memref_slice %arg5[%add3A_184, %dma_start3A_188] : memref<200x128xi32, #tpu.memory_space<vmem>> -> memref<1x128xi32, #tpu.memory_space<vmem>>
        %dma_start3A_190 = tpu.memref_squeeze %dma_start3A_189 : memref<1x128xi32, #tpu.memory_space<vmem>> -> memref<128xi32, #tpu.memory_space<vmem>>
        %dma_start3A_191 = arith.constant 0 : i32
        %dma_start3A_192 = arith.constant 0 : i32
        %dma_start3A_193 = tpu.memref_slice %arg3[%dma_start3A_191, %dma_start3A_192] : memref<1000000x64xf32, #tpu.memory_space<hbm>> -> memref<1000000x64xf32, #tpu.memory_space<hbm>>
        tpu.enqueue_indirect_dma source(%dma_start3A_193 : memref<1000000x64xf32, #tpu.memory_space<hbm>>) target(%dma_start3A_187 : memref<128x64xf32, #tpu.memory_space<vmem>>) offsets(%dma_start3A_190 : memref<128xi32, #tpu.memory_space<vmem>>) semaphore(%arg8 : memref<!tpu.dma_semaphore, #tpu.memory_space<semaphore_mem>>)
        %mul3A_194 = arith.constant 5 : i32
        %mul3A_195 = arith.muli %add3A_180, %mul3A_194 : i32
        %add3A_196 = arith.constant 1 : i32
        %add3A_197 = arith.addi %mul3A_195, %add3A_196 : i32
        %dma_start3A_198 = arith.constant 128 : i32
        %dma_start3A_199 = arith.constant 0 : i32
        %dma_start3A_200 = tpu.memref_slice %arg6[%dma_start3A_198, %dma_start3A_199] : memref<640x64xf32, #tpu.memory_space<vmem>> -> memref<128x64xf32, #tpu.memory_space<vmem>>
        %dma_start3A_201 = arith.constant 0 : i32
        %dma_start3A_202 = tpu.memref_slice %arg5[%add3A_197, %dma_start3A_201] : memref<200x128xi32, #tpu.memory_space<vmem>> -> memref<1x128xi32, #tpu.memory_space<vmem>>
        %dma_start3A_203 = tpu.memref_squeeze %dma_start3A_202 : memref<1x128xi32, #tpu.memory_space<vmem>> -> memref<128xi32, #tpu.memory_space<vmem>>
        %dma_start3A_204 = arith.constant 0 : i32
        %dma_start3A_205 = arith.constant 0 : i32
        %dma_start3A_206 = tpu.memref_slice %arg3[%dma_start3A_204, %dma_start3A_205] : memref<1000000x64xf32, #tpu.memory_space<hbm>> -> memref<1000000x64xf32, #tpu.memory_space<hbm>>
        tpu.enqueue_indirect_dma source(%dma_start3A_206 : memref<1000000x64xf32, #tpu.memory_space<hbm>>) target(%dma_start3A_200 : memref<128x64xf32, #tpu.memory_space<vmem>>) offsets(%dma_start3A_203 : memref<128xi32, #tpu.memory_space<vmem>>) semaphore(%arg8 : memref<!tpu.dma_semaphore, #tpu.memory_space<semaphore_mem>>)
        %mul3A_207 = arith.constant 5 : i32
        %mul3A_208 = arith.muli %add3A_180, %mul3A_207 : i32
        %add3A_209 = arith.constant 2 : i32
        %add3A_210 = arith.addi %mul3A_208, %add3A_209 : i32
        %dma_start3A_211 = arith.constant 256 : i32
        %dma_start3A_212 = arith.constant 0 : i32
        %dma_start3A_213 = tpu.memref_slice %arg6[%dma_start3A_211, %dma_start3A_212] : memref<640x64xf32, #tpu.memory_space<vmem>> -> memref<128x64xf32, #tpu.memory_space<vmem>>
        %dma_start3A_214 = arith.constant 0 : i32
        %dma_start3A_215 = tpu.memref_slice %arg5[%add3A_210, %dma_start3A_214] : memref<200x128xi32, #tpu.memory_space<vmem>> -> memref<1x128xi32, #tpu.memory_space<vmem>>
        %dma_start3A_216 = tpu.memref_squeeze %dma_start3A_215 : memref<1x128xi32, #tpu.memory_space<vmem>> -> memref<128xi32, #tpu.memory_space<vmem>>
        %dma_start3A_217 = arith.constant 0 : i32
        %dma_start3A_218 = arith.constant 0 : i32
        %dma_start3A_219 = tpu.memref_slice %arg3[%dma_start3A_217, %dma_start3A_218] : memref<1000000x64xf32, #tpu.memory_space<hbm>> -> memref<1000000x64xf32, #tpu.memory_space<hbm>>
        tpu.enqueue_indirect_dma source(%dma_start3A_219 : memref<1000000x64xf32, #tpu.memory_space<hbm>>) target(%dma_start3A_213 : memref<128x64xf32, #tpu.memory_space<vmem>>) offsets(%dma_start3A_216 : memref<128xi32, #tpu.memory_space<vmem>>) semaphore(%arg8 : memref<!tpu.dma_semaphore, #tpu.memory_space<semaphore_mem>>)
        %mul3A_220 = arith.constant 5 : i32
        %mul3A_221 = arith.muli %add3A_180, %mul3A_220 : i32
        %add3A_222 = arith.constant 3 : i32
        %add3A_223 = arith.addi %mul3A_221, %add3A_222 : i32
        %dma_start3A_224 = arith.constant 384 : i32
        %dma_start3A_225 = arith.constant 0 : i32
        %dma_start3A_226 = tpu.memref_slice %arg6[%dma_start3A_224, %dma_start3A_225] : memref<640x64xf32, #tpu.memory_space<vmem>> -> memref<128x64xf32, #tpu.memory_space<vmem>>
        %dma_start3A_227 = arith.constant 0 : i32
        %dma_start3A_228 = tpu.memref_slice %arg5[%add3A_223, %dma_start3A_227] : memref<200x128xi32, #tpu.memory_space<vmem>> -> memref<1x128xi32, #tpu.memory_space<vmem>>
        %dma_start3A_229 = tpu.memref_squeeze %dma_start3A_228 : memref<1x128xi32, #tpu.memory_space<vmem>> -> memref<128xi32, #tpu.memory_space<vmem>>
        %dma_start3A_230 = arith.constant 0 : i32
        %dma_start3A_231 = arith.constant 0 : i32
        %dma_start3A_232 = tpu.memref_slice %arg3[%dma_start3A_230, %dma_start3A_231] : memref<1000000x64xf32, #tpu.memory_space<hbm>> -> memref<1000000x64xf32, #tpu.memory_space<hbm>>
        tpu.enqueue_indirect_dma source(%dma_start3A_232 : memref<1000000x64xf32, #tpu.memory_space<hbm>>) target(%dma_start3A_226 : memref<128x64xf32, #tpu.memory_space<vmem>>) offsets(%dma_start3A_229 : memref<128xi32, #tpu.memory_space<vmem>>) semaphore(%arg8 : memref<!tpu.dma_semaphore, #tpu.memory_space<semaphore_mem>>)
        %mul3A_233 = arith.constant 5 : i32
        %mul3A_234 = arith.muli %add3A_180, %mul3A_233 : i32
        %add3A_235 = arith.constant 4 : i32
        %add3A_236 = arith.addi %mul3A_234, %add3A_235 : i32
        %dma_start3A_237 = arith.constant 512 : i32
        %dma_start3A_238 = arith.constant 0 : i32
        %dma_start3A_239 = tpu.memref_slice %arg6[%dma_start3A_237, %dma_start3A_238] : memref<640x64xf32, #tpu.memory_space<vmem>> -> memref<128x64xf32, #tpu.memory_space<vmem>>
        %dma_start3A_240 = arith.constant 0 : i32
        %dma_start3A_241 = tpu.memref_slice %arg5[%add3A_236, %dma_start3A_240] : memref<200x128xi32, #tpu.memory_space<vmem>> -> memref<1x128xi32, #tpu.memory_space<vmem>>
        %dma_start3A_242 = tpu.memref_squeeze %dma_start3A_241 : memref<1x128xi32, #tpu.memory_space<vmem>> -> memref<128xi32, #tpu.memory_space<vmem>>
        %dma_start3A_243 = arith.constant 0 : i32
        %dma_start3A_244 = arith.constant 0 : i32
        %dma_start3A_245 = tpu.memref_slice %arg3[%dma_start3A_243, %dma_start3A_244] : memref<1000000x64xf32, #tpu.memory_space<hbm>> -> memref<1000000x64xf32, #tpu.memory_space<hbm>>
        tpu.enqueue_indirect_dma source(%dma_start3A_245 : memref<1000000x64xf32, #tpu.memory_space<hbm>>) target(%dma_start3A_239 : memref<128x64xf32, #tpu.memory_space<vmem>>) offsets(%dma_start3A_242 : memref<128xi32, #tpu.memory_space<vmem>>) semaphore(%arg8 : memref<!tpu.dma_semaphore, #tpu.memory_space<semaphore_mem>>)
        %dma_wait3A_246 = arith.constant 0 : i32
        %dma_wait3A_247 = arith.constant 0 : i32
        %dma_wait3A_248 = tpu.memref_slice %arg4[%dma_wait3A_246, %dma_wait3A_247] : memref<819200x64xf32, #tpu.memory_space<hbm>> -> memref<640x64xf32, #tpu.memory_space<hbm>>
        %dma_wait3A_249 = arith.constant 0 : i32
        %dma_wait3A_250 = arith.constant 0 : i32
        %dma_wait3A_251 = tpu.memref_slice %arg4[%dma_wait3A_249, %dma_wait3A_250] : memref<819200x64xf32, #tpu.memory_space<hbm>> -> memref<640x64xf32, #tpu.memory_space<hbm>>
        tpu.wait_dma2 semaphore(%arg11 : memref<!tpu.dma_semaphore, #tpu.memory_space<semaphore_mem>>) src(%dma_wait3A_251 : memref<640x64xf32, #tpu.memory_space<hbm>>) dst(%arg7 : memref<640x64xf32, #tpu.memory_space<vmem>>)
        %mul3A_252 = arith.constant 2 : i32
        %mul3A_253 = arith.muli %mul3A_252, %scan3A_120 : i32
        %add3A_254 = arith.constant 1 : i32
        %add3A_255 = arith.addi %mul3A_253, %add3A_254 : i32
        %add3A_256 = arith.constant 2 : i32
        %add3A_257 = arith.addi %add3A_255, %add3A_256 : i32
        %mul3A_258 = arith.constant 5 : i32
        %mul3A_259 = arith.muli %add3A_257, %mul3A_258 : i32
        %add3A_260 = arith.constant 0 : i32
        %add3A_261 = arith.addi %mul3A_259, %add3A_260 : i32
        %dma_start3A_262 = arith.constant 0 : i32
        %dma_start3A_263 = arith.constant 0 : i32
        %dma_start3A_264 = tpu.memref_slice %arg7[%dma_start3A_262, %dma_start3A_263] : memref<640x64xf32, #tpu.memory_space<vmem>> -> memref<128x64xf32, #tpu.memory_space<vmem>>
        %dma_start3A_265 = arith.constant 0 : i32
        %dma_start3A_266 = tpu.memref_slice %arg5[%add3A_261, %dma_start3A_265] : memref<200x128xi32, #tpu.memory_space<vmem>> -> memref<1x128xi32, #tpu.memory_space<vmem>>
        %dma_start3A_267 = tpu.memref_squeeze %dma_start3A_266 : memref<1x128xi32, #tpu.memory_space<vmem>> -> memref<128xi32, #tpu.memory_space<vmem>>
        %dma_start3A_268 = arith.constant 0 : i32
        %dma_start3A_269 = arith.constant 0 : i32
        %dma_start3A_270 = tpu.memref_slice %arg3[%dma_start3A_268, %dma_start3A_269] : memref<1000000x64xf32, #tpu.memory_space<hbm>> -> memref<1000000x64xf32, #tpu.memory_space<hbm>>
        tpu.enqueue_indirect_dma source(%dma_start3A_270 : memref<1000000x64xf32, #tpu.memory_space<hbm>>) target(%dma_start3A_264 : memref<128x64xf32, #tpu.memory_space<vmem>>) offsets(%dma_start3A_267 : memref<128xi32, #tpu.memory_space<vmem>>) semaphore(%arg9 : memref<!tpu.dma_semaphore, #tpu.memory_space<semaphore_mem>>)
        %mul3A_271 = arith.constant 5 : i32
        %mul3A_272 = arith.muli %add3A_257, %mul3A_271 : i32
        %add3A_273 = arith.constant 1 : i32
        %add3A_274 = arith.addi %mul3A_272, %add3A_273 : i32
        %dma_start3A_275 = arith.constant 128 : i32
        %dma_start3A_276 = arith.constant 0 : i32
        %dma_start3A_277 = tpu.memref_slice %arg7[%dma_start3A_275, %dma_start3A_276] : memref<640x64xf32, #tpu.memory_space<vmem>> -> memref<128x64xf32, #tpu.memory_space<vmem>>
        %dma_start3A_278 = arith.constant 0 : i32
        %dma_start3A_279 = tpu.memref_slice %arg5[%add3A_274, %dma_start3A_278] : memref<200x128xi32, #tpu.memory_space<vmem>> -> memref<1x128xi32, #tpu.memory_space<vmem>>
        %dma_start3A_280 = tpu.memref_squeeze %dma_start3A_279 : memref<1x128xi32, #tpu.memory_space<vmem>> -> memref<128xi32, #tpu.memory_space<vmem>>
        %dma_start3A_281 = arith.constant 0 : i32
        %dma_start3A_282 = arith.constant 0 : i32
        %dma_start3A_283 = tpu.memref_slice %arg3[%dma_start3A_281, %dma_start3A_282] : memref<1000000x64xf32, #tpu.memory_space<hbm>> -> memref<1000000x64xf32, #tpu.memory_space<hbm>>
        tpu.enqueue_indirect_dma source(%dma_start3A_283 : memref<1000000x64xf32, #tpu.memory_space<hbm>>) target(%dma_start3A_277 : memref<128x64xf32, #tpu.memory_space<vmem>>) offsets(%dma_start3A_280 : memref<128xi32, #tpu.memory_space<vmem>>) semaphore(%arg9 : memref<!tpu.dma_semaphore, #tpu.memory_space<semaphore_mem>>)
        %mul3A_284 = arith.constant 5 : i32
        %mul3A_285 = arith.muli %add3A_257, %mul3A_284 : i32
        %add3A_286 = arith.constant 2 : i32
        %add3A_287 = arith.addi %mul3A_285, %add3A_286 : i32
        %dma_start3A_288 = arith.constant 256 : i32
        %dma_start3A_289 = arith.constant 0 : i32
        %dma_start3A_290 = tpu.memref_slice %arg7[%dma_start3A_288, %dma_start3A_289] : memref<640x64xf32, #tpu.memory_space<vmem>> -> memref<128x64xf32, #tpu.memory_space<vmem>>
        %dma_start3A_291 = arith.constant 0 : i32
        %dma_start3A_292 = tpu.memref_slice %arg5[%add3A_287, %dma_start3A_291] : memref<200x128xi32, #tpu.memory_space<vmem>> -> memref<1x128xi32, #tpu.memory_space<vmem>>
        %dma_start3A_293 = tpu.memref_squeeze %dma_start3A_292 : memref<1x128xi32, #tpu.memory_space<vmem>> -> memref<128xi32, #tpu.memory_space<vmem>>
        %dma_start3A_294 = arith.constant 0 : i32
        %dma_start3A_295 = arith.constant 0 : i32
        %dma_start3A_296 = tpu.memref_slice %arg3[%dma_start3A_294, %dma_start3A_295] : memref<1000000x64xf32, #tpu.memory_space<hbm>> -> memref<1000000x64xf32, #tpu.memory_space<hbm>>
        tpu.enqueue_indirect_dma source(%dma_start3A_296 : memref<1000000x64xf32, #tpu.memory_space<hbm>>) target(%dma_start3A_290 : memref<128x64xf32, #tpu.memory_space<vmem>>) offsets(%dma_start3A_293 : memref<128xi32, #tpu.memory_space<vmem>>) semaphore(%arg9 : memref<!tpu.dma_semaphore, #tpu.memory_space<semaphore_mem>>)
        %mul3A_297 = arith.constant 5 : i32
        %mul3A_298 = arith.muli %add3A_257, %mul3A_297 : i32
        %add3A_299 = arith.constant 3 : i32
        %add3A_300 = arith.addi %mul3A_298, %add3A_299 : i32
        %dma_start3A_301 = arith.constant 384 : i32
        %dma_start3A_302 = arith.constant 0 : i32
        %dma_start3A_303 = tpu.memref_slice %arg7[%dma_start3A_301, %dma_start3A_302] : memref<640x64xf32, #tpu.memory_space<vmem>> -> memref<128x64xf32, #tpu.memory_space<vmem>>
        %dma_start3A_304 = arith.constant 0 : i32
        %dma_start3A_305 = tpu.memref_slice %arg5[%add3A_300, %dma_start3A_304] : memref<200x128xi32, #tpu.memory_space<vmem>> -> memref<1x128xi32, #tpu.memory_space<vmem>>
        %dma_start3A_306 = tpu.memref_squeeze %dma_start3A_305 : memref<1x128xi32, #tpu.memory_space<vmem>> -> memref<128xi32, #tpu.memory_space<vmem>>
        %dma_start3A_307 = arith.constant 0 : i32
        %dma_start3A_308 = arith.constant 0 : i32
        %dma_start3A_309 = tpu.memref_slice %arg3[%dma_start3A_307, %dma_start3A_308] : memref<1000000x64xf32, #tpu.memory_space<hbm>> -> memref<1000000x64xf32, #tpu.memory_space<hbm>>
        tpu.enqueue_indirect_dma source(%dma_start3A_309 : memref<1000000x64xf32, #tpu.memory_space<hbm>>) target(%dma_start3A_303 : memref<128x64xf32, #tpu.memory_space<vmem>>) offsets(%dma_start3A_306 : memref<128xi32, #tpu.memory_space<vmem>>) semaphore(%arg9 : memref<!tpu.dma_semaphore, #tpu.memory_space<semaphore_mem>>)
        %mul3A_310 = arith.constant 5 : i32
        %mul3A_311 = arith.muli %add3A_257, %mul3A_310 : i32
        %add3A_312 = arith.constant 4 : i32
        %add3A_313 = arith.addi %mul3A_311, %add3A_312 : i32
        %dma_start3A_314 = arith.constant 512 : i32
        %dma_start3A_315 = arith.constant 0 : i32
        %dma_start3A_316 = tpu.memref_slice %arg7[%dma_start3A_314, %dma_start3A_315] : memref<640x64xf32, #tpu.memory_space<vmem>> -> memref<128x64xf32, #tpu.memory_space<vmem>>
        %dma_start3A_317 = arith.constant 0 : i32
        %dma_start3A_318 = tpu.memref_slice %arg5[%add3A_313, %dma_start3A_317] : memref<200x128xi32, #tpu.memory_space<vmem>> -> memref<1x128xi32, #tpu.memory_space<vmem>>
        %dma_start3A_319 = tpu.memref_squeeze %dma_start3A_318 : memref<1x128xi32, #tpu.memory_space<vmem>> -> memref<128xi32, #tpu.memory_space<vmem>>
        %dma_start3A_320 = arith.constant 0 : i32
        %dma_start3A_321 = arith.constant 0 : i32
        %dma_start3A_322 = tpu.memref_slice %arg3[%dma_start3A_320, %dma_start3A_321] : memref<1000000x64xf32, #tpu.memory_space<hbm>> -> memref<1000000x64xf32, #tpu.memory_space<hbm>>
        tpu.enqueue_indirect_dma source(%dma_start3A_322 : memref<1000000x64xf32, #tpu.memory_space<hbm>>) target(%dma_start3A_316 : memref<128x64xf32, #tpu.memory_space<vmem>>) offsets(%dma_start3A_319 : memref<128xi32, #tpu.memory_space<vmem>>) semaphore(%arg9 : memref<!tpu.dma_semaphore, #tpu.memory_space<semaphore_mem>>)
      } else {
      }
    }
    %scan3A_108 = arith.constant 20 : i32
    %dma_wait3A = arith.constant 0 : i32
    %dma_wait3A_109 = arith.constant 0 : i32
    %dma_wait3A_110 = tpu.memref_slice %arg4[%dma_wait3A, %dma_wait3A_109] : memref<819200x64xf32, #tpu.memory_space<hbm>> -> memref<640x64xf32, #tpu.memory_space<hbm>>
    %dma_wait3A_111 = arith.constant 0 : i32
    %dma_wait3A_112 = arith.constant 0 : i32
    %dma_wait3A_113 = tpu.memref_slice %arg4[%dma_wait3A_111, %dma_wait3A_112] : memref<819200x64xf32, #tpu.memory_space<hbm>> -> memref<640x64xf32, #tpu.memory_space<hbm>>
    tpu.wait_dma2 semaphore(%arg10 : memref<!tpu.dma_semaphore, #tpu.memory_space<semaphore_mem>>) src(%dma_wait3A_113 : memref<640x64xf32, #tpu.memory_space<hbm>>) dst(%arg6 : memref<640x64xf32, #tpu.memory_space<vmem>>)
    %dma_wait3A_114 = arith.constant 0 : i32
    %dma_wait3A_115 = arith.constant 0 : i32
    %dma_wait3A_116 = tpu.memref_slice %arg4[%dma_wait3A_114, %dma_wait3A_115] : memref<819200x64xf32, #tpu.memory_space<hbm>> -> memref<640x64xf32, #tpu.memory_space<hbm>>
    %dma_wait3A_117 = arith.constant 0 : i32
    %dma_wait3A_118 = arith.constant 0 : i32
    %dma_wait3A_119 = tpu.memref_slice %arg4[%dma_wait3A_117, %dma_wait3A_118] : memref<819200x64xf32, #tpu.memory_space<hbm>> -> memref<640x64xf32, #tpu.memory_space<hbm>>
    tpu.wait_dma2 semaphore(%arg11 : memref<!tpu.dma_semaphore, #tpu.memory_space<semaphore_mem>>) src(%dma_wait3A_119 : memref<640x64xf32, #tpu.memory_space<hbm>>) dst(%arg7 : memref<640x64xf32, #tpu.memory_space<vmem>>)
    return
  }
}

</mosaic_0001>

<sc_bundles>
// kernel: kernel.3.cloned.1.call-start
scs
__scs_entry_jumppad:
0x0: {  	(pc) =	sbr.rel $0x88, $3  }
0x1: {  	(tag) =	ssettag $0x0;
	lr =	simm.s32 $0x1  }
0x2: {  	[smem:$0x3F9F] =	sst lr;
	_ =	strace $0xD0000000  }
0x3: {  	_ = 	snop  }
0x4: {  	_ = 	snop  }
0x5: {  	_ = 	snop  }
0x6: {  	_ = 	snop  }
0x7: {  	_ = 	snop  }
__scs_overlays_trampoline_lowered:
0x8: {  	[smem:$0x3FAE] =	sst s0  }
0x9: {  	[smem:$0x3FAF] =	sst s1  }
0xa: {  	[smem:$0x3FB0] =	sst s2  }
0xb: {  	[smem:$0x3FB1] =	sst s3  }
0xc: {  	[smem:$0x3FB2] =	sst s4  }
0xd: {  	[smem:$0x3FB3] =	sst s5  }
0xe: {  	[smem:$0x3FB4] =	sst s6  }
0xf: {  	[smem:$0x3FB5] =	sst s7  }
0x10: {  	[smem:$0x3FB6] =	sst s8  }
0x11: {  	[smem:$0x3FB7] =	sst s9;
	s0 =	simm.s32 @!p0 $0x0  }
0x12: {  	s1 =	sld [smem:$0x3F9D];
	s0 =	simm.s32 @p0 $0x1  }
0x13: {  	[smem:$0x3FB8] =	sst s0;
	s0 =	simm.s32 @!p1 $0x0  }
0x14: {  	s2 =	sld [smem:$0x3F9C];
	s0 =	simm.s32 @p1 $0x1  }
0x15: {  	[smem:$0x3FB9] =	sst s0;
	s0 =	simm.s32 @!p2 $0x0  }
0x16: {  	s3 =	sld [smem:$0x3FDB];
	s0 =	simm.s32 @p2 $0x1  }
0x17: {  	s4 =	simm.s32 $0x1BF5;
	[smem:$0x3FBB] =	sst s0  }
0x18: {  	s0 =	sld [smem:$0x3F9E];
	_ =	swait.ge [sflag:s4], $0x0  }
0x19: {  	s7 =	sld [smem:$0x3F9F]  }
0x1a: {  	s8 =	sadd.s32 $0xFFFFE003, lr  }
0x1b: {  	s9 =	sadd.s32 $0xFFFFFEF7, lr;
	s5 =	simm.s32 $0xFFFFFFFF;
	p2 =	slt.u32 s8, $0xFFFFF086  }
0x1c: {  	p1 =	slt.u32 s9, $0xF7A;
	s5 =	simm.s32 @!p2 $0x0  }
0x1d: {  	s5 =	simm.s32 @p1 $0x1;
	p0 =	seq.s32 s7, s2  }
0x1e: {  	s7 =	smul.u32 @!p0 $0xF7A, s2;
	p2 =	seq.s32 @!p0 s5, $0x0  }
0x1f: {  	s9 =	smul.u32 $0xF7A, s1;
	s8 =	simm.s32 @!p0 $0x1BF5;
	p2 =	por !p2, p0  }
0x20: {  	[sflag:s8] =	ssyncset.s32 @!p0 $0xFFFFF086;
	s6 =	sadd.s32 @!p0 s3, s7;
	s7 =	simm.s32 @!p0 $0x108  }
0x21: {  	s3 =	sadd.s32 s3, s9;
	s6 =	sadd.s32 @!p0 $0x88, s6;
	s7 =	simm.s32 @p2 $0x1082  }
0x22: {  	[simem:s7], [sflag:s8] =	dma.local @!p0 [hbm:s6], $0xF7A  }
0x23: {  	s9 =	sor.u32 $0xD0000000, s2;
	s6 =	simm.s32 $0x108;
	_ =	swait.ge @!p0 [sflag:s8], $0x0  }
0x24: {  	s3 =	sadd.s32 $0x88, s3;
	s6 =	simm.s32 @!p1 $0x1082;
	[sflag:s4] =	ssyncset.s32 $0xFFFFF086  }
0x25: {  	[simem:s6], [sflag:s4] =	dma.local [hbm:s3], $0xF7A  }
0x26: {  	[smem:$0x3F9F] =	sst s1;
	(tag) =	ssettag s2;
	_ =	strace s9  }
0x27: {  	s1 =	sld [smem:$0x3FAF]  }
0x28: {  	s2 =	sld [smem:$0x3FB0]  }
0x29: {  	s4 =	sld [smem:$0x3FB2]  }
0x2a: {  	p0 =	seq.s32 s5, $0x0;
	s5 =	sld [smem:$0x3FB3]  }
0x2b: {  	s6 =	sld [smem:$0x3FB4]  }
0x2c: {  	s7 =	sld [smem:$0x3FB5]  }
0x2d: {  	s3 =	simm.s32 $0x108;
	s8 =	sld [smem:$0x3FB6]  }
0x2e: {  	s3 =	simm.s32 @!p0 $0x1082;
	s9 =	sld [smem:$0x3FB7]  }
0x2f: {  	lr =	sadd.s32 s0, s3;
	s0 =	sld [smem:$0x3FAE]  }
0x30: {  	s3 =	sld [smem:$0x3FB1]  }
0x31: {  	[smem:$0x3FBA] =	sst s10  }
0x32: {  	s10 =	sld [smem:$0x3FB8];
	_ =	sdelay $0x3  }
0x33: {  	p0 =	seq.s32 s10, $0x1;
	s10 =	sld [smem:$0x3FBA];
	_ =	sdelay $0x3  }
0x34: {  	[smem:$0x3FBA] =	sst s10  }
0x35: {  	s10 =	sld [smem:$0x3FB9];
	_ =	sdelay $0x3  }
0x36: {  	p1 =	seq.s32 s10, $0x1;
	s10 =	sld [smem:$0x3FBA];
	_ =	sdelay $0x3  }
0x37: {  	[smem:$0x3FBA] =	sst s10  }
0x38: {  	s10 =	sld [smem:$0x3FBB]  }
0x39: {  	_ = 	snop;
	(pc) =	sbr.ind lr, $3  }
0x3a: {  	_ = 	snop  }
0x3b: {  	_ = 	snop  }
0x3c: {  	p2 =	seq.s32 s10, $0x1;
	s10 =	sld [smem:$0x3FBA]  }
0x3d: {  	_ =	shalt  }
0x3e: {  	_ =	shalt  }
0x3f: {  	_ =	shalt  }
0x40: {  	_ =	shalt  }
0x41: {  	_ =	shalt  }
0x42: {  	_ =	shalt  }
0x43: {  	_ =	shalt  }
0x44: {  	_ =	shalt  }
0x45: {  	_ =	shalt  }
0x46: {  	_ =	shalt  }
0x47: {  	_ =	shalt  }
0x48: {  	_ =	shalt  }
0x49: {  	_ =	shalt  }
0x4a: {  	_ =	shalt  }
0x4b: {  	_ =	shalt  }
0x4c: {  	_ =	shalt  }
0x4d: {  	_ =	shalt  }
0x4e: {  	_ =	shalt  }
0x4f: {  	_ =	shalt  }
0x50: {  	_ =	shalt  }
0x51: {  	_ =	shalt  }
0x52: {  	_ =	shalt  }
0x53: {  	_ =	shalt  }
0x54: {  	_ =	shalt  }
0x55: {  	_ =	shalt  }
0x56: {  	_ =	shalt  }
0x57: {  	_ =	shalt  }
0x58: {  	_ =	shalt  }
0x59: {  	_ =	shalt  }
0x5a: {  	_ =	shalt  }
0x5b: {  	_ =	shalt  }
0x5c: {  	_ =	shalt  }
0x5d: {  	_ =	shalt  }
0x5e: {  	_ =	shalt  }
0x5f: {  	_ =	shalt  }
0x60: {  	_ =	shalt  }
0x61: {  	_ =	shalt  }
0x62: {  	_ =	shalt  }
0x63: {  	_ =	shalt  }
0x64: {  	_ =	shalt  }
0x65: {  	_ =	shalt  }
0x66: {  	_ =	shalt  }
0x67: {  	_ =	shalt  }
0x68: {  	_ =	shalt  }
0x69: {  	_ =	shalt  }
0x6a: {  	_ =	shalt  }
0x6b: {  	_ =	shalt  }
0x6c: {  	_ =	shalt  }
0x6d: {  	_ =	shalt  }
0x6e: {  	_ =	shalt  }
0x6f: {  	_ =	shalt  }
0x70: {  	_ =	shalt  }
0x71: {  	_ =	shalt  }
0x72: {  	_ =	shalt  }
0x73: {  	_ =	shalt  }
0x74: {  	_ =	shalt  }
0x75: {  	_ =	shalt  }
0x76: {  	_ =	shalt  }
0x77: {  	_ =	shalt  }
0x78: {  	_ =	shalt  }
0x79: {  	_ =	shalt  }
0x7a: {  	_ =	shalt  }
0x7b: {  	_ =	shalt  }
0x7c: {  	_ =	shalt  }
0x7d: {  	_ =	shalt  }
0x7e: {  	_ =	shalt  }
0x7f: {  	_ =	shalt  }
0x80: {  	_ =	shalt  }
0x81: {  	_ =	shalt  }
0x82: {  	_ =	shalt  }
0x83: {  	_ =	shalt  }
0x84: {  	_ =	shalt  }
0x85: {  	_ =	shalt  }
0x86: {  	_ =	shalt  }
0x87: {  	_ =	shalt  }
.Lfunc_end0:
.L_simem_size_0:
called_computation.1_lowered:
.L_overlay_start_0:
0x88: {  	s2 =	sld [smem:$0x3FD9]  }
0x89: {  	s3 =	sld [smem:$0x3FFE];
	_ =	sdelay $0x1  }
0x8a: {  	s1 =	srdreg.scid  }
0x8b: {  	s0 =	sand.u32 $0x1, s1  }
0x8c: {  	s17 =	sshll.u32 s0, $0xA;
	s2 =	sadd.s32 s3, s2  }
0x8d: {  	s2 =	sadd.s32 s2, s17  }
0x8e: {  	[smem:$0x3FC6] =	sst s2  }
0x8f: {  	_ = 	snop  }
0x90: {  	s2 =	sld [smem:$0x3FD0];
	(tm) =	ssettm $0x1  }
0x91: {  	s18 =	sld [smem:$0x3FFB];
	_ =	sdelay $0x3  }
0x92: {  	_ =	strace s18  }
0x93: {  	s3 =	sld [smem:$0x3FFC];
	_ =	sdelay $0x3  }
0x94: {  	_ =	strace s3  }
0x95: {  	s3 =	sld [smem:$0x3FFD];
	_ =	sdelay $0x3  }
0x96: {  	_ =	strace s3  }
0x97: {  	_ =	strace $0x8FFFFFFF  }
0x98: {  	s19 =	sld [smem:$0x3FDB];
	_ =	sdelay $0x1  }
0x99: {  	s4 =	simm.s32 $_scs_section_size  }
0x9a: {  	s5 =	simm.s32 $_size__tile_overlayer_lowered;
	s6 =	simm.s32 $_tile_overlayer_lowered  }
0x9b: {  	s22 =	simm.s32 $0x1BFF;
	s21 =	sshll.u32 s6, $0x1;
	s3 =	sadd.s32 s4, s19  }
0x9c: {  	s7 =	simm.s32 $0x0;
	s20 =	sshll.u32 s5, $0x1;
	s5 =	sadd.s32 s21, s3  }
0x9d: {  	[timem:s7], [sflag:s22] =	dma.local [hbm:s5], s20  }
0x9e: {  	_ =	swait.ge [sflag:s22], s20  }
0x9f: {  	s4 =	ssub.s32 $0x0, s20;
	[sflag:s22] =	ssyncset.done $0x0  }
0xa0: {  	[sflag:s22] =	ssyncadd.s32 s4;
	_ =	sdelay $0x1  }
0xa1: {  	s23 =	simm.s32 $0x1B8B  }
0xa2: {  	_ =	swait.ge [sflag:s23], $0x1  }
0xa3: {  	[sflag:s23] =	ssyncset.done $0x0  }
0xa4: {  	s25 =	simm.s32 $0x1B8E;
	s24 =	sld [smem:$0x3FFE];
	[sflag:s23] =	ssyncadd.s32 $0xFFFFFFFF  }
0xa5: {  	s26 =	simm.s32 $execute0_lowered;
	[smem:$0x3FD2] =	sst s25  }
0xa6: {  	s5 =	sshll.u32 s26, $0x1;
	_ =	strace $0x80000046;
	[dreg:$0x1] =	wrdreg $0xFFFFFFFF  }
0xa7: {  	s28 =	simm.s32 $_size_execute0_lowered;
	s3 =	sadd.s32 s3, s5;
	[dreg:$0x0] =	wrdreg $0x0  }
0xa8: {  	s5 =	sshll.u32 s28, $0x1;
	[dreg:$0x2] =	wrdreg s3  }
0xa9: {  	[dreg:$0x3] =	wrdreg s5  }
0xaa: {  	[dreg:$0x4] =	wrdreg $0xC0  }
0xab: {  	_ =	task [dreg:s7], $0x5FFFF  }
0xac: {  	[dreg:$0x1] =	wrdreg $0xFFFFFFFF  }
0xad: {  	[dreg:$0x0] =	wrdreg $0x60  }
0xae: {  	[dreg:$0x2] =	wrdreg s24  }
0xaf: {  	[dreg:$0x3] =	wrdreg s2  }
0xb0: {  	[dreg:$0x4] =	wrdreg $0x9  }
0xb1: {  	_ =	task.clear_ibuf [dreg:s7], $0x5FFFF;
	_ =	strace $0x90000046  }
0xb2: {  	s29 =	simm.s32 $0x9;
	_ =	strace $0x80000048  }
0xb3: {  	_ =	swait.ge [sflag:s29], $0x1  }
0xb4: {  	[sflag:s29] =	ssyncadd.s32 $0xFFFFFFFF  }
0xb5: {  	_ =	strace $0x90000048  }
0xb6: {  	_ =	sfence  }
0xb7: {  	s30 =	sld [smem:$0x0];
	_ =	sdelay $0x2  }
0xb8: {  	s31 =	sshll.u32 s1, $0xD;
	s1 =	sshrl.u32 s1, $0x2  }
0xb9: {  	s3 =	sand.u32 $0x4000, s31;
	s1 =	sadd.s32 s1, s30  }
0xba: {  	s0 =	sor.u32 s3, s0;
	s1 =	sshll.u32 s1, $0x11  }
0xbb: {  	s0 =	sor.u32 s1, s0  }
0xbc: {  	s0 =	sadd.s32 $0x8F2B, s0  }
0xbd: {  	[sflag:s0] =	ssyncadd.remote.s32 $0x1  }
0xbe: {  	_ =	sfence.sel $0xFFFF  }
0xbf: {  	[dreg:$0x0] =	wrdreg $0xFFFFFFFF;
	(pc) =	sbr.abs _section_cstart, $3  }
0xc0: {  	[dreg:$0x1] =	wrdreg $0xFFFFFFFF  }
0xc1: {  	_ =	task.clear_ibuf [dreg:s7], $0x2FFFF;
	_ =	strace $0x9FFFFFFF  }
0xc2: {  	(tm) =	ssettm $0x7FFFFFFF  }
0xc3: {  	_ =	shalt  }
tec
execute0_lowered:
.L_overlay_start_1:
0x0: {  	(tag) =	ssettag $0x1  }
0x1: {  	s0 =	rddreg [dreg:$0x0];
	s1 =	srdreg.scid  }
0x2: {  	s3 =	stileid.u32;
	s2 =	rddreg [dreg:$0x1]  }
0x3: {  	s9 =	simm.s32 $0x5;
	s10 =	simm.s32 $0x80;
	s11 =	simm.s32 $0x6400  }
0x4: {  	s12 =	simm.s32 $0x8400;
	s14 =	simm.s32 $0xA400;
	s16 =	simm.s32 $0xC400  }
0x5: {  	s18 =	simm.s32 $0xE400;
	s20 =	simm.s32 $0x10400;
	s22 =	simm.s32 $0x12400  }
0x6: {  	s24 =	simm.s32 $0x14400;
	s25 =	simm.s32 $0x400;
	s28 =	simm.s32 $0x480  }
0x7: {  	s29 =	simm.s32 $0x18400;
	s1 =	sand.u32 $0x1, s1;
	s4 =	sshll.u32 s3, $0x1  }
0x8: {  	s30 =	simm.s32 $0x1;
	s31 =	simm.s32 $0x2;
	s4 =	sor.u32 s1, s4  }
0x9: {  	s13 =	simm.s32 $0x0;
	s3 =	simm.s32 $0x0;
	s5 =	smul.u32 $0xC80, s4  }
.Ltmp0:
0xa: {  	[smem:$0x7FF] =	sst s3;
	s1 =	ssub.s32 $0x2, s1;
	(pc) =	sbr.rel .LBB2_1-.Ltmp0, $4  }
0xb: {  	_ =	strace $0x80000047;
	s7 =	sshrl.u32 s1, $0x1;
	s4 =	smul.u32 $0x6400, s4  }
0xc: {  	s26 =	ssub.s32 s1, s7;
	s1 =	simm.s32 $0x3;
	s6 =	sadd.s32 s5, s0  }
0xd: {  	s5 =	sadd.s32 $0xF42E00, s0;
	s7 =	sor.u32 $0x280, s4;
	s8 =	smax.u32 s26, $0x1  }
0xe: {  	s26 =	simm.s32 $0x16400;
	s0 =	simm.s32 $0x4;
	s6 =	sadd.s32 $0xA00, s6  }
.LBB2_8:
0xf: {  	s13 =	sadd.s32 $0x1, s13  }
0x10: {  	p0 =	sne.s32 s13, s8  }
.Ltmp1:
0x11: {  	_ = 	snop;
	(pc) =	sbr.rel @!p0 .LBB2_9-.Ltmp1, $4  }
0x12: {  	_ = 	snop  }
0x13: {  	_ =	swait.ge [sflag:s0], $0xA000  }
0x14: {  	[sflag:s0] =	ssyncset.done $0x0  }
0x15: {  	[sflag:s0] =	ssyncadd.s32 $0xFFFF6000  }
.LBB2_1:
0x16: {  	[tilespmem:s3], [sflag:$0x5] =	stream.linear.gather [hbm4b:s6+s3], $0x6400, $0x38;
	[tilespmem:$0x1A400] =	vst v63  }
0x17: {  	_ =	swait.ge [sflag:s9], $0x6400  }
0x18: {  	[sflag:s9] =	ssyncset.done $0x0  }
0x19: {  	[sflag:s9] =	ssyncadd.s32 $0xFFFF9C00  }
0x1a: {  	[tilespmem:s11], [sflag:$0x1] =	stream.indirect.gather [hbm4b:s5+s10], $0x40, s3, s10, $0xb8;
	[tilespmem:$0x1A400] =	vst v63  }
0x1b: {  	_ = 	snop  }
0x1c: {  	[tilespmem:s12], [sflag:$0x1] =	stream.indirect.gather [hbm4b:s5+s10], $0x40, s10, s10, $0xb8;
	[tilespmem:$0x1A400] =	vst v63  }
0x1d: {  	s15 =	simm.s32 $0x100  }
0x1e: {  	[tilespmem:s14], [sflag:$0x1] =	stream.indirect.gather [hbm4b:s5+s10], $0x40, s15, s10, $0xb8;
	[tilespmem:$0x1A400] =	vst v63  }
0x1f: {  	s23 =	simm.s32 $0x180  }
0x20: {  	[tilespmem:s16], [sflag:$0x1] =	stream.indirect.gather [hbm4b:s5+s10], $0x40, s23, s10, $0xb8;
	[tilespmem:$0x1A400] =	vst v63  }
0x21: {  	s17 =	simm.s32 $0x200  }
0x22: {  	[tilespmem:s18], [sflag:$0x1] =	stream.indirect.gather [hbm4b:s5+s10], $0x40, s17, s10, $0xb8;
	[tilespmem:$0x1A400] =	vst v63  }
0x23: {  	s19 =	simm.s32 $0x280  }
0x24: {  	[tilespmem:s20], [sflag:$0x2] =	stream.indirect.gather [hbm4b:s5+s10], $0x40, s19, s10, $0xb8;
	[tilespmem:$0x1A400] =	vst v63  }
0x25: {  	s21 =	simm.s32 $0x300  }
0x26: {  	[tilespmem:s22], [sflag:$0x2] =	stream.indirect.gather [hbm4b:s5+s10], $0x40, s21, s10, $0xb8;
	[tilespmem:$0x1A400] =	vst v63  }
0x27: {  	s23 =	simm.s32 $0x380  }
0x28: {  	[tilespmem:s24], [sflag:$0x2] =	stream.indirect.gather [hbm4b:s5+s10], $0x40, s23, s10, $0xb8;
	[tilespmem:$0x1A400] =	vst v63  }
0x29: {  	_ = 	snop  }
0x2a: {  	[tilespmem:s26], [sflag:$0x2] =	stream.indirect.gather [hbm4b:s5+s10], $0x40, s25, s10, $0xb8;
	[tilespmem:$0x1A400] =	vst v63  }
0x2b: {  	s15 =	simm.s32 $0x0  }
0x2c: {  	[tilespmem:s29], [sflag:$0x2] =	stream.indirect.gather [hbm4b:s5+s10], $0x40, s28, s10, $0xb8;
	[tilespmem:$0x1A400] =	vst v63  }
.LBB2_2:
0x2d: {  	_ =	swait.ge [sflag:s30], $0xA000  }
0x2e: {  	[sflag:s30] =	ssyncset.done $0x0  }
0x2f: {  	s19 =	simm.s32 $0x0;
	[sflag:s30] =	ssyncadd.s32 $0xFFFF6000  }
0x30: {  	v1 =	vld [tilespmem:s19+$0x6400]  }
0x31: {  	v2 =	vld [tilespmem:s19+$0x6410]  }
0x32: {  	s17 =	simm.s32 $0x100;
	v0 =	vld [tilespmem:s19+$0x6420]  }
.LBB2_3:
0x33: {  	p0 =	sne.s32 s17, $0x27F00;
	v3 =	vld [tilespmem:s19+$0x6430];
	_ =	sdelay $0x1  }
0x34: {  	v1 =	vmul.f32 $8.000000000e+00, v1  }
.Ltmp2:
0x35: {  	v2 =	vmul.f32 $8.000000000e+00, v2;
	(pc) =	sbr.rel @p0 .LBB2_3-.Ltmp2, $4  }
0x36: {  	s21 =	sshra.s32 s17, $0x2;
	[tilespmem:s19+$0x6400] =	vst v1;
	v0 =	vmul.f32 $8.000000000e+00, v0  }
0x37: {  	v1 =	vld [tilespmem:s21+$0x6400];
	[tilespmem:s19+$0x6410] =	vst v2;
	v3 =	vmul.f32 $8.000000000e+00, v3  }
0x38: {  	v2 =	vld [tilespmem:s21+$0x6410];
	[tilespmem:s19+$0x6420] =	vst v0  }
0x39: {  	s17 =	sadd.s32 $0x100, s17;
	v0 =	vld [tilespmem:s21+$0x6420];
	[tilespmem:s19+$0x6430] =	vst v3;
	s19 =	smov.u32 s21  }
0x3a: {  	v3 =	vld [tilespmem:s19+$0x6430];
	_ =	sdelay $0x1  }
0x3b: {  	v1 =	vmul.f32 $8.000000000e+00, v1  }
0x3c: {  	s17 =	smul.u32 $0x500, s15;
	v2 =	vmul.f32 $8.000000000e+00, v2  }
0x3d: {  	[tilespmem:s19+$0x6400] =	vst v1;
	v0 =	vmul.f32 $8.000000000e+00, v0  }
0x3e: {  	s21 =	sadd.s32 s4, s17;
	[tilespmem:s19+$0x6410] =	vst v2;
	v1 =	vmul.f32 $8.000000000e+00, v3  }
0x3f: {  	s21 =	sshll.u32 s21, $0x3;
	[tilespmem:s19+$0x6420] =	vst v0  }
0x40: {  	s23 =	simm.s32 $0x0;
	s21 =	sadd.s32 s2, s21;
	[tilespmem:s19+$0x6430] =	vst v1  }
0x41: {  	[hbm4b:s21+s23] =	stream.linear.scatter [tilespmem:s11], [sflag:$0x3], $0xA000, $0x38;
	[tilespmem:$0x1A400] =	vst v63  }
0x42: {  	_ =	swait.ge [sflag:s31], $0xA000  }
0x43: {  	[sflag:s31] =	ssyncset.done $0x0  }
0x44: {  	s19 =	simm.s32 $0x0;
	[sflag:s31] =	ssyncadd.s32 $0xFFFF6000  }
0x45: {  	v0 =	vld [tilespmem:s19+$0x10400]  }
0x46: {  	v2 =	vld [tilespmem:s19+$0x10410]  }
0x47: {  	s21 =	simm.s32 $0x100;
	v1 =	vld [tilespmem:s19+$0x10420]  }
.LBB2_5:
0x48: {  	p0 =	sne.s32 s21, $0x27F00;
	v3 =	vld [tilespmem:s19+$0x10430];
	_ =	sdelay $0x1  }
0x49: {  	v0 =	vmul.f32 $8.000000000e+00, v0  }
.Ltmp3:
0x4a: {  	v2 =	vmul.f32 $8.000000000e+00, v2;
	(pc) =	sbr.rel @p0 .LBB2_5-.Ltmp3, $4  }
0x4b: {  	s23 =	sshra.s32 s21, $0x2;
	[tilespmem:s19+$0x10400] =	vst v0;
	v1 =	vmul.f32 $8.000000000e+00, v1  }
0x4c: {  	v0 =	vld [tilespmem:s23+$0x10400];
	[tilespmem:s19+$0x10410] =	vst v2;
	v3 =	vmul.f32 $8.000000000e+00, v3  }
0x4d: {  	v2 =	vld [tilespmem:s23+$0x10410];
	[tilespmem:s19+$0x10420] =	vst v1  }
0x4e: {  	s21 =	sadd.s32 $0x100, s21;
	v1 =	vld [tilespmem:s23+$0x10420];
	[tilespmem:s19+$0x10430] =	vst v3;
	s19 =	smov.u32 s23  }
0x4f: {  	v3 =	vld [tilespmem:s19+$0x10430];
	_ =	sdelay $0x1  }
0x50: {  	v0 =	vmul.f32 $8.000000000e+00, v0  }
0x51: {  	v2 =	vmul.f32 $8.000000000e+00, v2  }
0x52: {  	s17 =	sadd.s32 s17, s7;
	[tilespmem:s19+$0x10400] =	vst v0;
	v62 =	vmul.f32 $8.000000000e+00, v1  }
0x53: {  	s17 =	sshll.u32 s17, $0x3;
	[tilespmem:s19+$0x10410] =	vst v2;
	v63 =	vmul.f32 $8.000000000e+00, v3  }
0x54: {  	p0 =	seq.s32 s15, $0x13;
	s17 =	sand.u32 $0x1FFFFC00, s17;
	[tilespmem:s19+$0x10420] =	vst v62  }
.Ltmp4:
0x55: {  	s17 =	sadd.s32 s2, s17;
	[tilespmem:s19+$0x10430] =	vst v63;
	(pc) =	sbr.rel @p0 .LBB2_8-.Ltmp4, $4  }
0x56: {  	[hbm4b:s17+s3] =	stream.linear.scatter [tilespmem:s20], [sflag:$0x4], $0xA000, $0x38;
	[tilespmem:$0x1A400] =	vst v63  }
0x57: {  	_ =	swait.ge [sflag:s1], $0xA000  }
0x58: {  	[sflag:s1] =	ssyncset.done $0x0  }
0x59: {  	[sflag:s1] =	ssyncadd.s32 $0xFFFF6000  }
0x5a: {  	s17 =	smul.u32 $0x1400, s15;
	_ =	sdelay $0x1  }
0x5b: {  	s17 =	sshra.s32 s17, $0x2  }
0x5c: {  	s19 =	sadd.s32 $0x500, s17  }
0x5d: {  	[tilespmem:s11], [sflag:$0x1] =	stream.indirect.gather [hbm4b:s5+s10], $0x40, s19, s10, $0xb8;
	[tilespmem:$0x1A400] =	vst v63  }
0x5e: {  	s21 =	sadd.s32 $0x580, s17  }
0x5f: {  	[tilespmem:s12], [sflag:$0x1] =	stream.indirect.gather [hbm4b:s5+s10], $0x40, s21, s10, $0xb8;
	[tilespmem:$0x1A400] =	vst v63  }
0x60: {  	s23 =	sadd.s32 $0x600, s17  }
0x61: {  	[tilespmem:s14], [sflag:$0x1] =	stream.indirect.gather [hbm4b:s5+s10], $0x40, s23, s10, $0xb8;
	[tilespmem:$0x1A400] =	vst v63  }
0x62: {  	s21 =	sadd.s32 $0x680, s17  }
0x63: {  	[tilespmem:s16], [sflag:$0x1] =	stream.indirect.gather [hbm4b:s5+s10], $0x40, s21, s10, $0xb8;
	[tilespmem:$0x1A400] =	vst v63  }
0x64: {  	s23 =	sadd.s32 $0x700, s17  }
0x65: {  	[tilespmem:s18], [sflag:$0x1] =	stream.indirect.gather [hbm4b:s5+s10], $0x40, s23, s10, $0xb8;
	[tilespmem:$0x1A400] =	vst v63  }
0x66: {  	_ =	swait.ge [sflag:s0], $0xA000  }
0x67: {  	[sflag:s0] =	ssyncset.done $0x0  }
0x68: {  	s21 =	sadd.s32 $0x780, s17;
	[sflag:s0] =	ssyncadd.s32 $0xFFFF6000  }
0x69: {  	[tilespmem:s20], [sflag:$0x2] =	stream.indirect.gather [hbm4b:s5+s10], $0x40, s21, s10, $0xb8;
	[tilespmem:$0x1A400] =	vst v63  }
0x6a: {  	s23 =	sadd.s32 $0x800, s17  }
0x6b: {  	[tilespmem:s22], [sflag:$0x2] =	stream.indirect.gather [hbm4b:s5+s10], $0x40, s23, s10, $0xb8;
	[tilespmem:$0x1A400] =	vst v63  }
0x6c: {  	s21 =	sadd.s32 $0x880, s17  }
0x6d: {  	[tilespmem:s24], [sflag:$0x2] =	stream.indirect.gather [hbm4b:s5+s10], $0x40, s21, s10, $0xb8;
	[tilespmem:$0x1A400] =	vst v63  }
.Ltmp5:
0x6e: {  	_ = 	snop;
	(pc) =	sbr.rel .LBB2_2-.Ltmp5, $4  }
0x6f: {  	s23 =	sadd.s32 $0x900, s17  }
0x70: {  	[tilespmem:s26], [sflag:$0x2] =	stream.indirect.gather [hbm4b:s5+s10], $0x40, s23, s10, $0xb8;
	[tilespmem:$0x1A400] =	vst v63  }
0x71: {  	s15 =	sadd.s32 $0x1, s15;
	s17 =	sadd.s32 $0x980, s17  }
0x72: {  	[tilespmem:s29], [sflag:$0x2] =	stream.indirect.gather [hbm4b:s5+s10], $0x40, s17, s10, $0xb8;
	[tilespmem:$0x1A400] =	vst v63  }
.LBB2_9:
0x73: {  	_ =	sfence.sel $0x180000  }
0x74: {  	[bflag:$0x0] =	sbarrier.arrive $0xFFFF  }
0x75: {  	_ =	strace $0x90000047  }
0x76: {  	s0 =	stileid.u32;
	[bflag:$0x2] =	sbarrier.arrive $0xFFFF  }
0x77: {  	p0 =	sne.s32 s0, $0x0;
	s0 =	rddreg [dreg:$0x2]  }
0x78: {  	s0 =	sadd.s32 @!p0 $0x100000, s0  }
0x79: {  	[sflag:s0] =	ssyncadd.tile.s32 @!p0 $0x1;
	_ =	shalt  }
.Lfunc_end2:
_tile_overlayer_lowered:
.L_overlay_start_2:
0x7a: {  	(tag) =	ssettag $0x2  }
0x7b: {  	s0 =	rddreg [dreg:$0x0];
	s2 =	stileid.u32  }
0x7c: {  	s1 =	rddreg [dreg:$0x1];
	p0 =	sne.s32 s2, $0x0  }
0x7d: {  	s3 =	rddreg [dreg:$0x2];
	[bflag:$0x3] =	sbarrier.arrive $0xFFFF;
	s2 =	simm.s32 @!p0 $0x1C05  }
0x7e: {  	[timem:s3], [sflag:s2] =	dma.local @!p0 [hbm:s0], s1  }
0x7f: {  	s0 =	simm.s32 @!p0 $0x5  }
0x80: {  	_ =	swait.ge @!p0 [sflag:s0], s1  }
0x81: {  	s1 =	ssub.s32 @!p0 $0x0, s1;
	[sflag:s0] =	ssyncset.done @!p0 $0x0  }
0x82: {  	[sflag:s0] =	ssyncadd.s32 @!p0 s1  }
0x83: {  	[bflag:$0x3] =	sbarrier.arrive $0xFFFF  }
0x84: {  	_ =	shalt  }

// kernel: sparse-core-data-format-call.cloned.1.call-start
scs
called_computation_lowered:
.L_overlay_start_0:
0x0: {  	s2 =	sld [smem:$0x3FD9]  }
0x1: {  	s3 =	sld [smem:$0x3FFE];
	_ =	sdelay $0x1  }
0x2: {  	s1 =	srdreg.scid  }
0x3: {  	s0 =	sand.u32 $0x1, s1  }
0x4: {  	s18 =	sshll.u32 s0, $0xA;
	s2 =	sadd.s32 s3, s2  }
0x5: {  	s2 =	sadd.s32 s2, s18  }
0x6: {  	[smem:$0x3FC6] =	sst s2  }
0x7: {  	_ = 	snop  }
0x8: {  	s2 =	sld [smem:$0x3FD0];
	(tm) =	ssettm $0x1  }
0x9: {  	s19 =	sld [smem:$0x3FFB];
	_ =	sdelay $0x3  }
0xa: {  	_ =	strace s19  }
0xb: {  	s3 =	sld [smem:$0x3FFC];
	_ =	sdelay $0x3  }
0xc: {  	_ =	strace s3  }
0xd: {  	s3 =	sld [smem:$0x3FFD];
	_ =	sdelay $0x3  }
0xe: {  	_ =	strace s3  }
0xf: {  	_ =	strace $0x8FFFFFFF  }
0x10: {  	s20 =	sld [smem:$0x3FDB];
	_ =	sdelay $0x1  }
0x11: {  	s4 =	simm.s32 $_scs_section_size  }
0x12: {  	s5 =	simm.s32 $_size__tile_overlayer_lowered;
	s6 =	simm.s32 $_tile_overlayer_lowered  }
0x13: {  	s23 =	simm.s32 $0x1BFF;
	s22 =	sshll.u32 s6, $0x1;
	s3 =	sadd.s32 s4, s20  }
0x14: {  	s7 =	simm.s32 $0x0;
	s21 =	sshll.u32 s5, $0x1;
	s5 =	sadd.s32 s22, s3  }
0x15: {  	[timem:s7], [sflag:s23] =	dma.local [hbm:s5], s21  }
0x16: {  	_ =	swait.ge [sflag:s23], s21  }
0x17: {  	s4 =	ssub.s32 $0x0, s21;
	[sflag:s23] =	ssyncset.done $0x0  }
0x18: {  	[sflag:s23] =	ssyncadd.s32 s4;
	_ =	sdelay $0x1  }
0x19: {  	s24 =	simm.s32 $0x1B8B  }
0x1a: {  	_ =	swait.ge [sflag:s24], $0x1  }
0x1b: {  	[sflag:s24] =	ssyncset.done $0x0  }
0x1c: {  	s26 =	simm.s32 $0x1B8E;
	s25 =	sld [smem:$0x3FFE];
	[sflag:s24] =	ssyncadd.s32 $0xFFFFFFFF  }
0x1d: {  	s27 =	simm.s32 $execute0_lowered;
	[smem:$0x3FD2] =	sst s26  }
0x1e: {  	s5 =	sshll.u32 s27, $0x1;
	_ =	strace $0x80000049;
	[dreg:$0x1] =	wrdreg $0xFFFFFFFF  }
0x1f: {  	s28 =	simm.s32 $_size_execute0_lowered;
	s3 =	sadd.s32 s3, s5;
	[dreg:$0x0] =	wrdreg $0x0  }
0x20: {  	s5 =	sshll.u32 s28, $0x1;
	[dreg:$0x2] =	wrdreg s3  }
0x21: {  	[dreg:$0x3] =	wrdreg s5  }
0x22: {  	[dreg:$0x4] =	wrdreg $0xC0  }
0x23: {  	_ =	task [dreg:s7], $0x5FFFF  }
0x24: {  	[dreg:$0x1] =	wrdreg $0xFFFFFFFF  }
0x25: {  	[dreg:$0x0] =	wrdreg $0x60  }
0x26: {  	[dreg:$0x2] =	wrdreg s25  }
0x27: {  	[dreg:$0x3] =	wrdreg s2  }
0x28: {  	[dreg:$0x4] =	wrdreg $0x9  }
0x29: {  	_ =	task.clear_ibuf [dreg:s7], $0x5FFFF;
	_ =	strace $0x90000049  }
0x2a: {  	s29 =	simm.s32 $0x9;
	_ =	strace $0x8000004B  }
0x2b: {  	_ =	swait.ge [sflag:s29], $0x1  }
0x2c: {  	[sflag:s29] =	ssyncadd.s32 $0xFFFFFFFF  }
0x2d: {  	_ =	strace $0x9000004B  }
0x2e: {  	_ =	sfence  }
0x2f: {  	s30 =	sld [smem:$0x0];
	_ =	sdelay $0x2  }
0x30: {  	s31 =	sshll.u32 s1, $0xD;
	s1 =	sshrl.u32 s1, $0x2  }
0x31: {  	s3 =	sand.u32 $0x4000, s31;
	s1 =	sadd.s32 s1, s30  }
0x32: {  	s0 =	sor.u32 s3, s0;
	s1 =	sshll.u32 s1, $0x11  }
0x33: {  	s0 =	sor.u32 s1, s0  }
0x34: {  	s0 =	sadd.s32 $0x8F2B, s0  }
0x35: {  	[sflag:s0] =	ssyncadd.remote.s32 $0x1  }
0x36: {  	_ =	sfence.sel $0xFFFF  }
0x37: {  	[dreg:$0x0] =	wrdreg $0xFFFFFFFF;
	(pc) =	sbr.abs _section_cstart, $3  }
0x38: {  	[dreg:$0x1] =	wrdreg $0xFFFFFFFF  }
0x39: {  	_ =	task.clear_ibuf [dreg:s7], $0x2FFFF;
	_ =	strace $0x9FFFFFFF  }
0x3a: {  	(tm) =	ssettm $0x7FFFFFFF  }
0x3b: {  	_ =	shalt  }
tec
execute0_lowered:
.L_overlay_start_1:
0x0: {  	(tag) =	ssettag $0x1  }
0x1: {  	s0 =	srdreg.scid  }
0x2: {  	s1 =	sshll.u32 s0, $0x4  }
0x3: {  	s0 =	stileid.u32;
	s1 =	sand.u32 $0x10, s1  }
0x4: {  	s1 =	sor.u32 s0, s1  }
0x5: {  	s6 =	rddreg [dreg:$0x0];
	s4 =	simm.s32 $0x1;
	s2 =	sshll.u32 s1, $0x7  }
0x6: {  	s7 =	simm.s32 $0x2;
	s12 =	simm.s32 $0x0;
	s1 =	ssub.s32 $0x4000, s2  }
0x7: {  	s8 =	simm.s32 $0x20000;
	s13 =	simm.s32 $0x0;
	s3 =	sand.u32 $0xF80, s1  }
0x8: {  	s9 =	simm.s32 $0x0;
	s5 =	sshrl.u32 s1, $0xC;
	p0 =	sne.s32 s3, $0x0  }
.Ltmp0:
0x9: {  	s1 =	rddreg [dreg:$0x2];
	s4 =	simm.s32 @!p0 $0x0;
	(pc) =	sbr.rel .LBB1_1-.Ltmp0, $4  }
0xa: {  	s11 =	simm.s32 $0x0;
	s3 =	rddreg [dreg:$0x1];
	s5 =	sadd.s32 s4, s5  }
0xb: {  	_ =	strace $0x8000004A;
	s4 =	simm.s32 $0x1;
	s5 =	smul.u32 $0x32, s5  }
0xc: {  	s6 =	sadd.s32 $0xA00, s6;
	s10 =	smov.u32 s2;
	[sflag:s4] =	ssyncpa.u1 $0x0  }
0xd: {  	p0 =	por $0x0, $0x0;
	[sflag:s7] =	ssyncpa.u1 $0x0;
	s7 =	sor.u32 $0x1, s5  }
.LBB1_4:
0xe: {  	s16 =	sshll.u32 s13, $0x3;
	s17 =	sand.u32 $0x78, s13  }
0xf: {  	s30 =	sand.u32 $0x1F800, s13;
	s12 =	sshll.u32 s12, $0x11;
	s16 =	sand.u32 $0x3C00, s16  }
0x10: {  	[tilespmem:s15+$0x810 ss:$0x81] =	vst.msk $0xffff, v2;
	s31 =	sand.u32 $0x7, s13;
	s16 =	sor.u32 s17, s16;
	s17 =	sadd.s32 s3, s30  }
0x11: {  	[tilespmem:s15+$0x1020 ss:$0x81] =	vst.msk $0xffff, v0;
	s13 =	sshll.u32 s31, $0x12;
	s12 =	sadd.s32 s12, s17;
	s16 =	sshrl.u32 s16, $0x3  }
0x12: {  	[tilespmem:s15+$0x0 ss:$0x81] =	vst.msk $0xffff, v1;
	s13 =	sor.u32 $0x400, s13;
	s12 =	sadd.s32 s16, s12  }
0x13: {  	[hbm4b:s12+s13] =	stream.strided.scatter [tilespmem:s14], [sflag:$0x2], $0x2000, s8, s13, $0x20;
	[tilespmem:$0x8080] =	vst v63  }
.LBB1_5:
0x14: {  	s14 =	sadd.s32 $0x1, s9  }
0x15: {  	s12 =	sadd.s32 $0x1000, s10;
	s16 =	smov.u32 s10;
	p2 =	sgt.s32 s14, $0x31  }
0x16: {  	s16 =	smov.u32 @p2 s12  }
0x17: {  	s14 =	simm.s32 @p2 $0x0;
	p2 =	sgt.s32 s16, $0x3FFF  }
0x18: {  	s16 =	smov.u32 @p2 s2;
	p2 =	sne.s32 s11, s7  }
.Ltmp1:
0x19: {  	p1 =	slt.u32 s11, $0x2;
	(pc) =	sbr.rel @!p2 .LBB1_6-.Ltmp1, $4  }
0x1a: {  	s15 =	simm.s32 @!p1 $0x2  }
0x1b: {  	s13 =	smov.u32 s10;
	p0 =	por !p0, !p0;
	_ =	swait.ge @!p1 [sflag:s15], $0x2000  }
0x1c: {  	s12 =	smov.u32 s9;
	[sflag:s15] =	ssyncset.done @!p1 $0x0;
	s9 =	smov.u32 s14  }
0x1d: {  	s11 =	sadd.s32 $0x1, s11;
	[sflag:s15] =	ssyncadd.s32 @!p1 $0xFFFFE000;
	s10 =	smov.u32 s16  }
.LBB1_1:
0x1e: {  	p1 =	sge.u32 s11, s5  }
0x1f: {  	s14 =	sand.u32 @!p1 $0x1FFFFFF, s9  }
0x20: {  	s15 =	smulhi.u32 @!p1 $0x4924925, s14;
	_ =	sdelay $0x1  }
0x21: {  	s15 =	smul.u32 @!p1 $0x38, s15  }
0x22: {  	s16 =	sxor.u32 @!p1 $0xFFFFFFFF, s11;
	s17 =	smul.u32 @!p1 $0x380, s10  }
0x23: {  	s31 =	sadd.s32 $0xFFFFFFFF, s11;
	s16 =	sshll.u32 @!p1 s16, $0xD;
	s14 =	ssub.s32 @!p1 s14, s15  }
0x24: {  	s15 =	sand.u32 @!p1 $0x2000, s16;
	s16 =	sadd.s32 @!p1 s6, s17;
	s14 =	sshll.u32 @!p1 s14, $0x4  }
0x25: {  	s17 =	simm.s32 @!p1 $0x1C00;
	s14 =	sadd.s32 @!p1 s14, s16;
	s16 =	simm.s32 @!p1 $0x40  }
0x26: {  	[tilespmem:s15], [sflag:$0x1] =	stream.strided.gather @!p1 [hbm4b:s14+s16], $0x2000, s17, s16, $0x38;
	[tilespmem:$0x8080] =	vst v63  }
0x27: {  	p1 =	sge.u32 s31, s5  }
.Ltmp2:
0x28: {  	_ = 	snop;
	(pc) =	sbr.rel @p1 .LBB1_5-.Ltmp2, $1  }
0x29: {  	_ =	sdelay $0x3  }
0x2a: {  	s14 =	simm.s32 $0x1  }
0x2b: {  	_ =	swait.ge [sflag:s4], $0x2000;
	s14 =	simm.s32 @!p0 $0x0  }
0x2c: {  	[sflag:s4] =	ssyncset.done $0x0;
	s15 =	sshll.u32 s14, $0xD  }
0x2d: {  	[sflag:s4] =	ssyncadd.s32 $0xFFFFE000;
	s18 =	sor.u32 $0x20, s15  }
0x2e: {  	s14 =	smul.u32 $0x8100, s14;
	v3 =	vld [tilespmem:s18+$0x10]  }
0x2f: {  	s30 =	sand.u32 $0x1, s11;
	v2 =	vld [tilespmem:s18+$0xFFFFFFF0]  }
0x30: {  	s15 =	smul.u32 $0x8100, s30;
	s14 =	sshrl.u32 s14, $0x2;
	v0 =	vld [tilespmem:s18+$0x0]  }
0x31: {  	v1 =	vld [tilespmem:s18+$0xFFFFFFE0];
	s16 =	sor.u32 $0x4000, s14  }
0x32: {  	s31 =	sshrl.u32 s15, $0x2;
	s15 =	sadd.s32 $0x0, s16  }
0x33: {  	s17 =	simm.s32 $0x4;
	s18 =	sadd.s32 $0x40, s18;
	s14 =	sor.u32 $0x4000, s31;
	[tilespmem:s15+$0x1830 ss:$0x81] =	vst.msk $0xffff, v3  }
.LBB1_3:
0x34: {  	v3 =	vld [tilespmem:s18+$0x10];
	p1 =	sne.s32 s17, $0x1FC;
	[tilespmem:s15+$0x810 ss:$0x81] =	vst.msk $0xffff, v2;
	s19 =	smov.u32 s17;
	s17 =	sadd.s32 $0x4, s17  }
.Ltmp3:
0x35: {  	v2 =	vld [tilespmem:s18+$0xFFFFFFF0];
	[tilespmem:s15+$0x1020 ss:$0x81] =	vst.msk $0xffff, v0;
	(pc) =	sbr.rel @p1 .LBB1_3-.Ltmp3, $4  }
0x36: {  	v0 =	vld [tilespmem:s18+$0x0];
	[tilespmem:s15+$0x0 ss:$0x81] =	vst.msk $0xffff, v1  }
0x37: {  	s15 =	sshra.s32 s19, $0x2;
	v1 =	vld [tilespmem:s18+$0xFFFFFFE0]  }
0x38: {  	s15 =	sadd.s32 s15, s16  }
0x39: {  	s18 =	sadd.s32 $0x40, s18;
	[tilespmem:s15+$0x1830 ss:$0x81] =	vst.msk $0xffff, v3  }
.Ltmp4:
0x3a: {  	_ = 	snop;
	(pc) =	sbr.rel .LBB1_4-.Ltmp4, $1  }
0x3b: {  	_ =	sdelay $0x3  }
.LBB1_6:
0x3c: {  	_ =	sfence.sel $0x180000  }
0x3d: {  	s2 =	simm.s32 $0x1;
	[bflag:$0x0] =	sbarrier.arrive $0xFFFF  }
0x3e: {  	s31 =	simm.s32 $0x2;
	[sflag:s2] =	ssyncpa.u1 $0x1  }
0x3f: {  	[sflag:s31] =	ssyncpa.u1 $0x1  }
0x40: {  	p0 =	sne.s32 s0, $0x0;
	_ =	strace $0x9000004A  }
0x41: {  	s0 =	sadd.s32 @!p0 $0x100000, s1;
	[bflag:$0x2] =	sbarrier.arrive $0xFFFF  }
0x42: {  	[sflag:s0] =	ssyncadd.tile.s32 @!p0 $0x1;
	_ =	shalt  }
.Lfunc_end1:
_tile_overlayer_lowered:
.L_overlay_start_2:
0x43: {  	(tag) =	ssettag $0x2  }
0x44: {  	s0 =	rddreg [dreg:$0x0];
	s2 =	stileid.u32  }
0x45: {  	s1 =	rddreg [dreg:$0x1];
	p0 =	sne.s32 s2, $0x0  }
0x46: {  	s3 =	rddreg [dreg:$0x2];
	[bflag:$0x3] =	sbarrier.arrive $0xFFFF;
	s2 =	simm.s32 @!p0 $0x1C01  }
0x47: {  	[timem:s3], [sflag:s2] =	dma.local @!p0 [hbm:s0], s1  }
0x48: {  	s0 =	simm.s32 @!p0 $0x1  }
0x49: {  	_ =	swait.ge @!p0 [sflag:s0], s1  }
0x4a: {  	s1 =	ssub.s32 @!p0 $0x0, s1;
	[sflag:s0] =	ssyncset.done @!p0 $0x0  }
0x4b: {  	[sflag:s0] =	ssyncadd.s32 @!p0 s1  }
0x4c: {  	[bflag:$0x3] =	sbarrier.arrive $0xFFFF  }
0x4d: {  	_ =	shalt  }

</sc_bundles>
